<compile_context>
chip_gen: v7x
topology: tpu7x:2x2x1
jax: 0.10.2.dev20260603
libtpu: 0.0.44.dev20260713+nightly
codegen_flags: <defaults>
</compile_context>

<pallas_src>
import functools
import jax
import jax.numpy as jnp
from jax import lax
from jax.experimental import pallas as pl
from jax.experimental.pallas import tpu as pltpu
from jax.experimental.pallas import tpu_sc as plsc

WORDLEN = 100000
EMB = 64
CTX = 20
HID = 128
BK = 2048
G = 7
NJ = 7
PAD = G * NJ * BK
NEG = -jnp.inf
NC_SC = 2


_mesh = plsc.VectorSubcoreMesh(core_axis_name="c", subcore_axis_name="s")


@functools.partial(
    pl.kernel, mesh=_mesh,
    out_type=jax.ShapeDtypeStruct((CTX + 4, 2 * EMB), jnp.float32),
    scratch_types=[
        pltpu.VMEM((24,), jnp.int32),
        pltpu.VMEM((CTX + 4, 2 * EMB), jnp.float32),
        pltpu.SemaphoreType.DMA,
    ],
)
def _sc_emb(table2_hbm, idx_hbm, out_hbm, idx_v, rows_v, sem):
    wid = lax.axis_index("s") * NC_SC + lax.axis_index("c")

    @pl.when(wid == 0)
    def _():
        pltpu.sync_copy(idx_hbm, idx_v)
        pltpu.async_copy(table2_hbm.at[idx_v], rows_v, sem).wait()
        pltpu.sync_copy(rows_v, out_hbm)


def _fused(x_ref, embp_ref, w1_ref, b1_ref, *refs):
    w2_blks = refs[:G]
    b2_ref, out_ref, h_ref, m_ref = refs[G:]
    j = pl.program_id(0)

    @pl.when(j == 0)
    def _compute_h():
        acc = b1_ref[...]
        for i in range(CTX):
            pair = embp_ref[i:i + 1, :]
            even = lax.rem(x_ref[i], 2) == 0
            row = jnp.where(even, pair[:, :EMB], pair[:, EMB:])
            acc = acc + jnp.dot(row,
                                w1_ref[i * EMB:(i + 1) * EMB, :],
                                preferred_element_type=jnp.float32)
        h_ref[...] = jnp.maximum(acc, 0.0)
        m_ref[...] = jnp.full((1, BK), NEG, jnp.float32)

    h = h_ref[...]
    m = m_ref[...]
    for g in range(G):
        bidx = g * NJ + j
        logits = jnp.dot(h, w2_blks[g][...],
                         preferred_element_type=jnp.float32)
        logits = logits + b2_ref[:, pl.ds(bidx * BK, BK)]
        col = lax.broadcasted_iota(jnp.int32, (1, BK), 1) + bidx * BK
        logits = jnp.where(col < WORDLEN, logits, NEG)
        out_ref[:, pl.ds(bidx * BK, BK)] = logits
        m = jnp.maximum(m, logits)
    m_ref[...] = m

    @pl.when(j == NJ - 1)
    def _finalize():
        mx = jnp.max(m_ref[...])
        lo = out_ref[...]
        s = jnp.sum(jnp.exp(lo - mx))
        out_ref[...] = lo - (mx + jnp.log(s))


def kernel(x, table, W1, b1, W2, b2):
    b1r = b1.reshape(1, HID)
    b2p = jnp.pad(b2, (0, PAD - WORDLEN)).reshape(1, PAD)

    xp = jnp.pad(x, (0, 4)).astype(jnp.int32)
    table2 = table.reshape(WORDLEN // 2, 2 * EMB)
    embp = _sc_emb(table2, xp // 2)

    w2_specs = [
        pl.BlockSpec((HID, BK), lambda j, xr, g=g: (0, g * NJ + j))
        for g in range(G)
    ]
    grid_spec = pltpu.PrefetchScalarGridSpec(
        num_scalar_prefetch=1,
        grid=(NJ,),
        in_specs=[
            pl.BlockSpec((CTX + 4, 2 * EMB), lambda j, xr: (0, 0)),
            pl.BlockSpec((HID * 10, HID), lambda j, xr: (0, 0)),
            pl.BlockSpec((1, HID), lambda j, xr: (0, 0)),
            *w2_specs,
            pl.BlockSpec((1, PAD), lambda j, xr: (0, 0)),
        ],
        out_specs=pl.BlockSpec((1, PAD), lambda j, xr: (0, 0)),
        scratch_shapes=[
            pltpu.VMEM((1, HID), jnp.float32),
            pltpu.VMEM((1, BK), jnp.float32),
        ],
    )
    out = pl.pallas_call(
        _fused,
        grid_spec=grid_spec,
        out_shape=jax.ShapeDtypeStruct((1, PAD), jnp.float32),
    )(x, embp, W1, b1r, *([W2] * G), b2p)
    return out[:, :WORDLEN]

# --- scband reference (transcript-rebuilt; emitter-appended) ---
"""Pipeline reference for scband-pre-66838281061307 (READ-ONLY COPY).

The authoritative reference and input builder live on the scoring server;
editing this copy changes nothing except your own understanding.
"""

import jax, jax.numpy as jnp
import numpy as np

WORDLEN = 100000
EMBADLEN = 64
CONTEXTLEN = 20
HIDDEN = 128


def setup_inputs(seed: int = 0) -> dict:
    key = jax.random.key(seed)
    ks = jax.random.split(key, 6)
    x = jax.random.randint(ks[0], (CONTEXTLEN,), 0, WORDLEN, dtype=jnp.int32)
    table = jax.random.normal(ks[1], (WORDLEN, EMBADLEN), dtype=jnp.float32) * 0.02
    W1 = jax.random.normal(ks[2], (CONTEXTLEN * EMBADLEN, HIDDEN), dtype=jnp.float32) * 0.02
    b1 = jnp.zeros((HIDDEN,), dtype=jnp.float32)
    W2 = jax.random.normal(ks[3], (HIDDEN, WORDLEN), dtype=jnp.float32) * 0.02
    b2 = jnp.zeros((WORDLEN,), dtype=jnp.float32)
    return {"x": x, "table": table, "W1": W1, "b1": b1, "W2": W2, "b2": b2}


def reference(x, table, W1, b1, W2, b2):
    # embedding lookup -> gather rows from table
    emb = jnp.take(table, x, axis=0)            # [contextlen, embadlen]
    h = emb.reshape(1, -1)                       # [1, contextlen*embadlen]
    h = jax.nn.relu(h @ W1 + b1)                 # [1, 128]
    logits = h @ W2 + b2                         # [1, wordlen]
    out = jax.nn.log_softmax(logits, axis=-1)
    return out

if __name__ == "__main__":
    import jax
    _d = setup_inputs()
    print(jax.jit(kernel)(*tuple(_d.values())))

</pallas_src>

<mosaic_0001>
#map = affine_map<(d0, d1) -> (0, 0)>
#map1 = affine_map<(d0, d1) -> (0)>
module attributes {stable_mosaic.version = 14 : i64} {
  func.func @_sc_emb(%arg0: i32, %arg1: i32, %arg2: memref<50000x128xf32, #tpu.memory_space<hbm>>, %arg3: memref<24xi32, #tpu.memory_space<hbm>>, %arg4: memref<24x128xf32, #tpu.memory_space<hbm>>, %arg5: memref<24xi32, #tpu.memory_space<vmem>>, %arg6: memref<24x128xf32, #tpu.memory_space<vmem>>, %arg7: memref<!tpu.dma_semaphore, #tpu.memory_space<semaphore_mem>>) attributes {dimension_semantics = [#tpu.dimension_semantics<core_parallel>, #tpu.dimension_semantics<subcore_parallel>], iteration_bounds = array<i64: 2, 16>, scalar_prefetch = 0 : i64, scratch_operands = 3 : i64, tpu.core_type = #tpu.core_type<sc_vector_subcore>, window_params = [{transform_indices = #map}, {transform_indices = #map1}, {transform_indices = #map}]} {
    %mul3A = arith.constant 2 : i32
    %mul3A_0 = arith.muli %arg1, %mul3A : i32
    %add3A = arith.addi %mul3A_0, %arg0 : i32
    %eq3A = arith.constant 0 : i32
    %eq3A_1 = arith.cmpi eq, %add3A, %eq3A : i32
    %convert_element_type3A = arith.extui %eq3A_1 : i1 to i32
    %cond3A = arith.constant 0 : i32
    %cond3A_2 = arith.cmpi ne, %convert_element_type3A, %cond3A : i32
    scf.if %cond3A_2 {
      "tpu.region"() ({
        %run_scoped3A = tpu.sem_alloc : memref<!tpu.dma_semaphore, #tpu.memory_space<semaphore_mem>>
        tpu.enqueue_dma source(%arg3 : memref<24xi32, #tpu.memory_space<hbm>>) target(%arg5 : memref<24xi32, #tpu.memory_space<vmem>>) target_semaphore(%run_scoped3A : memref<!tpu.dma_semaphore, #tpu.memory_space<semaphore_mem>>)
        tpu.wait_dma2 semaphore(%run_scoped3A : memref<!tpu.dma_semaphore, #tpu.memory_space<semaphore_mem>>) src(%arg3 : memref<24xi32, #tpu.memory_space<hbm>>) dst(%arg5 : memref<24xi32, #tpu.memory_space<vmem>>)
        tpu.yield
      }) : () -> ()
      %dma_start3A = arith.constant 0 : i32
      %dma_start3A_3 = arith.constant 0 : i32
      %dma_start3A_4 = tpu.memref_slice %arg2[%dma_start3A, %dma_start3A_3] : memref<50000x128xf32, #tpu.memory_space<hbm>> -> memref<50000x128xf32, #tpu.memory_space<hbm>>
      tpu.enqueue_indirect_dma source(%dma_start3A_4 : memref<50000x128xf32, #tpu.memory_space<hbm>>) target(%arg6 : memref<24x128xf32, #tpu.memory_space<vmem>>) offsets(%arg5 : memref<24xi32, #tpu.memory_space<vmem>>) semaphore(%arg7 : memref<!tpu.dma_semaphore, #tpu.memory_space<semaphore_mem>>)
      %dma_wait3A = arith.constant 0 : i32
      %dma_wait3A_5 = arith.constant 0 : i32
      %dma_wait3A_6 = tpu.memref_slice %arg2[%dma_wait3A, %dma_wait3A_5] : memref<50000x128xf32, #tpu.memory_space<hbm>> -> memref<50000x128xf32, #tpu.memory_space<hbm>>
      tpu.wait_indirect_dma semaphore(%arg7 : memref<!tpu.dma_semaphore, #tpu.memory_space<semaphore_mem>>) src(%dma_wait3A_6 : memref<50000x128xf32, #tpu.memory_space<hbm>>) dst(%arg6 : memref<24x128xf32, #tpu.memory_space<vmem>>)
      "tpu.region"() ({
        %run_scoped3A = tpu.sem_alloc : memref<!tpu.dma_semaphore, #tpu.memory_space<semaphore_mem>>
        tpu.enqueue_dma source(%arg6 : memref<24x128xf32, #tpu.memory_space<vmem>>) target(%arg4 : memref<24x128xf32, #tpu.memory_space<hbm>>) target_semaphore(%run_scoped3A : memref<!tpu.dma_semaphore, #tpu.memory_space<semaphore_mem>>)
        tpu.wait_dma2 semaphore(%run_scoped3A : memref<!tpu.dma_semaphore, #tpu.memory_space<semaphore_mem>>) src(%arg6 : memref<24x128xf32, #tpu.memory_space<vmem>>) dst(%arg4 : memref<24x128xf32, #tpu.memory_space<hbm>>)
        tpu.yield
      }) : () -> ()
    } else {
    }
    return
  }
}

module attributes {stable_mosaic.version = 14 : i64} {
  func.func @_fused(%arg0: i32, %arg1: memref<20xi32, #tpu.memory_space<smem>>, %arg2: memref<24x128xf32, #tpu.memory_space<vmem>>, %arg3: memref<1280x128xf32, #tpu.memory_space<vmem>>, %arg4: memref<1x128xf32, #tpu.memory_space<vmem>>, %arg5: memref<128x2048xf32, #tpu.memory_space<vmem>>, %arg6: memref<128x2048xf32, #tpu.memory_space<vmem>>, %arg7: memref<128x2048xf32, #tpu.memory_space<vmem>>, %arg8: memref<128x2048xf32, #tpu.memory_space<vmem>>, %arg9: memref<128x2048xf32, #tpu.memory_space<vmem>>, %arg10: memref<128x2048xf32, #tpu.memory_space<vmem>>, %arg11: memref<128x2048xf32, #tpu.memory_space<vmem>>, %arg12: memref<1x100352xf32, #tpu.memory_space<vmem>>, %arg13: memref<1x100352xf32, #tpu.memory_space<vmem>>, %arg14: memref<1x128xf32, #tpu.memory_space<vmem>>, %arg15: memref<1x2048xf32, #tpu.memory_space<vmem>>) attributes {dimension_semantics = [#tpu.dimension_semantics<arbitrary>], iteration_bounds = array<i64: 7>, scalar_prefetch = 1 : i64, scratch_operands = 2 : i64, tpu.core_type = #tpu.core_type<tc>, window_params = [{pipeline_mode = #tpu.pipeline_mode<synchronous>, transform_indices = @transform_0, window_bounds = array<i64: 24, 128>}, {pipeline_mode = #tpu.pipeline_mode<synchronous>, transform_indices = @transform_1, window_bounds = array<i64: 1280, 128>}, {pipeline_mode = #tpu.pipeline_mode<synchronous>, transform_indices = @transform_2, window_bounds = array<i64: 1, 128>}, {transform_indices = @transform_3, window_bounds = array<i64: 128, 2048>}, {transform_indices = @transform_4, window_bounds = array<i64: 128, 2048>}, {transform_indices = @transform_5, window_bounds = array<i64: 128, 2048>}, {transform_indices = @transform_6, window_bounds = array<i64: 128, 2048>}, {transform_indices = @transform_7, window_bounds = array<i64: 128, 2048>}, {transform_indices = @transform_8, window_bounds = array<i64: 128, 2048>}, {transform_indices = @transform_9, window_bounds = array<i64: 128, 2048>}, {pipeline_mode = #tpu.pipeline_mode<synchronous>, transform_indices = @transform_10, window_bounds = array<i64: 1, 100352>}, {pipeline_mode = #tpu.pipeline_mode<synchronous>, transform_indices = @transform_11, window_bounds = array<i64: 1, 100352>}]} {
    %eq3A = arith.constant 0 : i32
    %eq3A_0 = arith.cmpi eq, %arg0, %eq3A : i32
    %convert_element_type3A = arith.extui %eq3A_0 : i1 to i32
    %cond3A = arith.constant 0 : i32
    %cond3A_1 = arith.cmpi ne, %convert_element_type3A, %cond3A : i32
    scf.if %cond3A_1 {
      %get3A_215 = arith.constant 0 : index
      %get3A_216 = arith.constant 0 : index
      %get3A_217 = vector.load %arg4[%get3A_215, %get3A_216] : memref<1x128xf32, #tpu.memory_space<vmem>>, vector<1x128xf32>
      %get3A_218 = arith.constant 0 : index
      %get3A_219 = arith.constant 0 : index
      %get3A_220 = vector.load %arg2[%get3A_218, %get3A_219] : memref<24x128xf32, #tpu.memory_space<vmem>>, vector<1x128xf32>
      %get3A_221 = arith.constant 0 : index
      %get3A_222 = memref.load %arg1[%get3A_221] : memref<20xi32, #tpu.memory_space<smem>>
      %rem3A = arith.constant 2 : i32
      %rem3A_223 = arith.remsi %get3A_222, %rem3A : i32
      %eq3A_224 = arith.constant 0 : i32
      %eq3A_225 = arith.cmpi eq, %rem3A_223, %eq3A_224 : i32
      %slice3A = vector.extract_strided_slice %get3A_220 {offsets = [0, 0], sizes = [1, 64], strides = [1, 1]} : vector<1x128xf32> to vector<1x64xf32>
      %slice3A_226 = vector.extract_strided_slice %get3A_220 {offsets = [0, 64], sizes = [1, 64], strides = [1, 1]} : vector<1x128xf32> to vector<1x64xf32>
      %select_n3A_227 = arith.select %eq3A_225, %slice3A, %slice3A_226 : vector<1x64xf32>
      %get3A_228 = arith.constant 0 : index
      %get3A_229 = arith.constant 0 : index
      %get3A_230 = vector.load %arg3[%get3A_228, %get3A_229] : memref<1280x128xf32, #tpu.memory_space<vmem>>, vector<64x128xf32>
      %dot_general3A_231 = arith.constant dense<0.000000e+00> : vector<1x128xf32>
      %dot_general3A_232 = tpu.matmul %select_n3A_227, %get3A_230, %dot_general3A_231 {dimension_numbers = #tpu.dot_dimension_numbers<[1], [0], [0], [1], [0, 0, 1, 1], [], []>, transpose_lhs_hint = false} : vector<1x64xf32>, vector<64x128xf32>, vector<1x128xf32> -> vector<1x128xf32>
      %add3A_233 = arith.addf %get3A_217, %dot_general3A_232 : vector<1x128xf32>
      %get3A_234 = arith.constant 1 : index
      %get3A_235 = arith.constant 0 : index
      %get3A_236 = vector.load %arg2[%get3A_234, %get3A_235] : memref<24x128xf32, #tpu.memory_space<vmem>>, vector<1x128xf32>
      %get3A_237 = arith.constant 1 : index
      %get3A_238 = memref.load %arg1[%get3A_237] : memref<20xi32, #tpu.memory_space<smem>>
      %rem3A_239 = arith.constant 2 : i32
      %rem3A_240 = arith.remsi %get3A_238, %rem3A_239 : i32
      %eq3A_241 = arith.constant 0 : i32
      %eq3A_242 = arith.cmpi eq, %rem3A_240, %eq3A_241 : i32
      %slice3A_243 = vector.extract_strided_slice %get3A_236 {offsets = [0, 0], sizes = [1, 64], strides = [1, 1]} : vector<1x128xf32> to vector<1x64xf32>
      %slice3A_244 = vector.extract_strided_slice %get3A_236 {offsets = [0, 64], sizes = [1, 64], strides = [1, 1]} : vector<1x128xf32> to vector<1x64xf32>
      %select_n3A_245 = arith.select %eq3A_242, %slice3A_243, %slice3A_244 : vector<1x64xf32>
      %get3A_246 = arith.constant 64 : index
      %get3A_247 = arith.constant 0 : index
      %get3A_248 = vector.load %arg3[%get3A_246, %get3A_247] : memref<1280x128xf32, #tpu.memory_space<vmem>>, vector<64x128xf32>
      %dot_general3A_249 = arith.constant dense<0.000000e+00> : vector<1x128xf32>
      %dot_general3A_250 = tpu.matmul %select_n3A_245, %get3A_248, %dot_general3A_249 {dimension_numbers = #tpu.dot_dimension_numbers<[1], [0], [0], [1], [0, 0, 1, 1], [], []>, transpose_lhs_hint = false} : vector<1x64xf32>, vector<64x128xf32>, vector<1x128xf32> -> vector<1x128xf32>
      %add3A_251 = arith.addf %add3A_233, %dot_general3A_250 : vector<1x128xf32>
      %get3A_252 = arith.constant 2 : index
      %get3A_253 = arith.constant 0 : index
      %get3A_254 = vector.load %arg2[%get3A_252, %get3A_253] : memref<24x128xf32, #tpu.memory_space<vmem>>, vector<1x128xf32>
      %get3A_255 = arith.constant 2 : index
      %get3A_256 = memref.load %arg1[%get3A_255] : memref<20xi32, #tpu.memory_space<smem>>
      %rem3A_257 = arith.constant 2 : i32
      %rem3A_258 = arith.remsi %get3A_256, %rem3A_257 : i32
      %eq3A_259 = arith.constant 0 : i32
      %eq3A_260 = arith.cmpi eq, %rem3A_258, %eq3A_259 : i32
      %slice3A_261 = vector.extract_strided_slice %get3A_254 {offsets = [0, 0], sizes = [1, 64], strides = [1, 1]} : vector<1x128xf32> to vector<1x64xf32>
      %slice3A_262 = vector.extract_strided_slice %get3A_254 {offsets = [0, 64], sizes = [1, 64], strides = [1, 1]} : vector<1x128xf32> to vector<1x64xf32>
      %select_n3A_263 = arith.select %eq3A_260, %slice3A_261, %slice3A_262 : vector<1x64xf32>
      %get3A_264 = arith.constant 128 : index
      %get3A_265 = arith.constant 0 : index
      %get3A_266 = vector.load %arg3[%get3A_264, %get3A_265] : memref<1280x128xf32, #tpu.memory_space<vmem>>, vector<64x128xf32>
      %dot_general3A_267 = arith.constant dense<0.000000e+00> : vector<1x128xf32>
      %dot_general3A_268 = tpu.matmul %select_n3A_263, %get3A_266, %dot_general3A_267 {dimension_numbers = #tpu.dot_dimension_numbers<[1], [0], [0], [1], [0, 0, 1, 1], [], []>, transpose_lhs_hint = false} : vector<1x64xf32>, vector<64x128xf32>, vector<1x128xf32> -> vector<1x128xf32>
      %add3A_269 = arith.addf %add3A_251, %dot_general3A_268 : vector<1x128xf32>
      %get3A_270 = arith.constant 3 : index
      %get3A_271 = arith.constant 0 : index
      %get3A_272 = vector.load %arg2[%get3A_270, %get3A_271] : memref<24x128xf32, #tpu.memory_space<vmem>>, vector<1x128xf32>
      %get3A_273 = arith.constant 3 : index
      %get3A_274 = memref.load %arg1[%get3A_273] : memref<20xi32, #tpu.memory_space<smem>>
      %rem3A_275 = arith.constant 2 : i32
      %rem3A_276 = arith.remsi %get3A_274, %rem3A_275 : i32
      %eq3A_277 = arith.constant 0 : i32
      %eq3A_278 = arith.cmpi eq, %rem3A_276, %eq3A_277 : i32
      %slice3A_279 = vector.extract_strided_slice %get3A_272 {offsets = [0, 0], sizes = [1, 64], strides = [1, 1]} : vector<1x128xf32> to vector<1x64xf32>
      %slice3A_280 = vector.extract_strided_slice %get3A_272 {offsets = [0, 64], sizes = [1, 64], strides = [1, 1]} : vector<1x128xf32> to vector<1x64xf32>
      %select_n3A_281 = arith.select %eq3A_278, %slice3A_279, %slice3A_280 : vector<1x64xf32>
      %get3A_282 = arith.constant 192 : index
      %get3A_283 = arith.constant 0 : index
      %get3A_284 = vector.load %arg3[%get3A_282, %get3A_283] : memref<1280x128xf32, #tpu.memory_space<vmem>>, vector<64x128xf32>
      %dot_general3A_285 = arith.constant dense<0.000000e+00> : vector<1x128xf32>
      %dot_general3A_286 = tpu.matmul %select_n3A_281, %get3A_284, %dot_general3A_285 {dimension_numbers = #tpu.dot_dimension_numbers<[1], [0], [0], [1], [0, 0, 1, 1], [], []>, transpose_lhs_hint = false} : vector<1x64xf32>, vector<64x128xf32>, vector<1x128xf32> -> vector<1x128xf32>
      %add3A_287 = arith.addf %add3A_269, %dot_general3A_286 : vector<1x128xf32>
      %get3A_288 = arith.constant 4 : index
      %get3A_289 = arith.constant 0 : index
      %get3A_290 = vector.load %arg2[%get3A_288, %get3A_289] : memref<24x128xf32, #tpu.memory_space<vmem>>, vector<1x128xf32>
      %get3A_291 = arith.constant 4 : index
      %get3A_292 = memref.load %arg1[%get3A_291] : memref<20xi32, #tpu.memory_space<smem>>
      %rem3A_293 = arith.constant 2 : i32
      %rem3A_294 = arith.remsi %get3A_292, %rem3A_293 : i32
      %eq3A_295 = arith.constant 0 : i32
      %eq3A_296 = arith.cmpi eq, %rem3A_294, %eq3A_295 : i32
      %slice3A_297 = vector.extract_strided_slice %get3A_290 {offsets = [0, 0], sizes = [1, 64], strides = [1, 1]} : vector<1x128xf32> to vector<1x64xf32>
      %slice3A_298 = vector.extract_strided_slice %get3A_290 {offsets = [0, 64], sizes = [1, 64], strides = [1, 1]} : vector<1x128xf32> to vector<1x64xf32>
      %select_n3A_299 = arith.select %eq3A_296, %slice3A_297, %slice3A_298 : vector<1x64xf32>
      %get3A_300 = arith.constant 256 : index
      %get3A_301 = arith.constant 0 : index
      %get3A_302 = vector.load %arg3[%get3A_300, %get3A_301] : memref<1280x128xf32, #tpu.memory_space<vmem>>, vector<64x128xf32>
      %dot_general3A_303 = arith.constant dense<0.000000e+00> : vector<1x128xf32>
      %dot_general3A_304 = tpu.matmul %select_n3A_299, %get3A_302, %dot_general3A_303 {dimension_numbers = #tpu.dot_dimension_numbers<[1], [0], [0], [1], [0, 0, 1, 1], [], []>, transpose_lhs_hint = false} : vector<1x64xf32>, vector<64x128xf32>, vector<1x128xf32> -> vector<1x128xf32>
      %add3A_305 = arith.addf %add3A_287, %dot_general3A_304 : vector<1x128xf32>
      %get3A_306 = arith.constant 5 : index
      %get3A_307 = arith.constant 0 : index
      %get3A_308 = vector.load %arg2[%get3A_306, %get3A_307] : memref<24x128xf32, #tpu.memory_space<vmem>>, vector<1x128xf32>
      %get3A_309 = arith.constant 5 : index
      %get3A_310 = memref.load %arg1[%get3A_309] : memref<20xi32, #tpu.memory_space<smem>>
      %rem3A_311 = arith.constant 2 : i32
      %rem3A_312 = arith.remsi %get3A_310, %rem3A_311 : i32
      %eq3A_313 = arith.constant 0 : i32
      %eq3A_314 = arith.cmpi eq, %rem3A_312, %eq3A_313 : i32
      %slice3A_315 = vector.extract_strided_slice %get3A_308 {offsets = [0, 0], sizes = [1, 64], strides = [1, 1]} : vector<1x128xf32> to vector<1x64xf32>
      %slice3A_316 = vector.extract_strided_slice %get3A_308 {offsets = [0, 64], sizes = [1, 64], strides = [1, 1]} : vector<1x128xf32> to vector<1x64xf32>
      %select_n3A_317 = arith.select %eq3A_314, %slice3A_315, %slice3A_316 : vector<1x64xf32>
      %get3A_318 = arith.constant 320 : index
      %get3A_319 = arith.constant 0 : index
      %get3A_320 = vector.load %arg3[%get3A_318, %get3A_319] : memref<1280x128xf32, #tpu.memory_space<vmem>>, vector<64x128xf32>
      %dot_general3A_321 = arith.constant dense<0.000000e+00> : vector<1x128xf32>
      %dot_general3A_322 = tpu.matmul %select_n3A_317, %get3A_320, %dot_general3A_321 {dimension_numbers = #tpu.dot_dimension_numbers<[1], [0], [0], [1], [0, 0, 1, 1], [], []>, transpose_lhs_hint = false} : vector<1x64xf32>, vector<64x128xf32>, vector<1x128xf32> -> vector<1x128xf32>
      %add3A_323 = arith.addf %add3A_305, %dot_general3A_322 : vector<1x128xf32>
      %get3A_324 = arith.constant 6 : index
      %get3A_325 = arith.constant 0 : index
      %get3A_326 = vector.load %arg2[%get3A_324, %get3A_325] : memref<24x128xf32, #tpu.memory_space<vmem>>, vector<1x128xf32>
      %get3A_327 = arith.constant 6 : index
      %get3A_328 = memref.load %arg1[%get3A_327] : memref<20xi32, #tpu.memory_space<smem>>
      %rem3A_329 = arith.constant 2 : i32
      %rem3A_330 = arith.remsi %get3A_328, %rem3A_329 : i32
      %eq3A_331 = arith.constant 0 : i32
      %eq3A_332 = arith.cmpi eq, %rem3A_330, %eq3A_331 : i32
      %slice3A_333 = vector.extract_strided_slice %get3A_326 {offsets = [0, 0], sizes = [1, 64], strides = [1, 1]} : vector<1x128xf32> to vector<1x64xf32>
      %slice3A_334 = vector.extract_strided_slice %get3A_326 {offsets = [0, 64], sizes = [1, 64], strides = [1, 1]} : vector<1x128xf32> to vector<1x64xf32>
      %select_n3A_335 = arith.select %eq3A_332, %slice3A_333, %slice3A_334 : vector<1x64xf32>
      %get3A_336 = arith.constant 384 : index
      %get3A_337 = arith.constant 0 : index
      %get3A_338 = vector.load %arg3[%get3A_336, %get3A_337] : memref<1280x128xf32, #tpu.memory_space<vmem>>, vector<64x128xf32>
      %dot_general3A_339 = arith.constant dense<0.000000e+00> : vector<1x128xf32>
      %dot_general3A_340 = tpu.matmul %select_n3A_335, %get3A_338, %dot_general3A_339 {dimension_numbers = #tpu.dot_dimension_numbers<[1], [0], [0], [1], [0, 0, 1, 1], [], []>, transpose_lhs_hint = false} : vector<1x64xf32>, vector<64x128xf32>, vector<1x128xf32> -> vector<1x128xf32>
      %add3A_341 = arith.addf %add3A_323, %dot_general3A_340 : vector<1x128xf32>
      %get3A_342 = arith.constant 7 : index
      %get3A_343 = arith.constant 0 : index
      %get3A_344 = vector.load %arg2[%get3A_342, %get3A_343] : memref<24x128xf32, #tpu.memory_space<vmem>>, vector<1x128xf32>
      %get3A_345 = arith.constant 7 : index
      %get3A_346 = memref.load %arg1[%get3A_345] : memref<20xi32, #tpu.memory_space<smem>>
      %rem3A_347 = arith.constant 2 : i32
      %rem3A_348 = arith.remsi %get3A_346, %rem3A_347 : i32
      %eq3A_349 = arith.constant 0 : i32
      %eq3A_350 = arith.cmpi eq, %rem3A_348, %eq3A_349 : i32
      %slice3A_351 = vector.extract_strided_slice %get3A_344 {offsets = [0, 0], sizes = [1, 64], strides = [1, 1]} : vector<1x128xf32> to vector<1x64xf32>
      %slice3A_352 = vector.extract_strided_slice %get3A_344 {offsets = [0, 64], sizes = [1, 64], strides = [1, 1]} : vector<1x128xf32> to vector<1x64xf32>
      %select_n3A_353 = arith.select %eq3A_350, %slice3A_351, %slice3A_352 : vector<1x64xf32>
      %get3A_354 = arith.constant 448 : index
      %get3A_355 = arith.constant 0 : index
      %get3A_356 = vector.load %arg3[%get3A_354, %get3A_355] : memref<1280x128xf32, #tpu.memory_space<vmem>>, vector<64x128xf32>
      %dot_general3A_357 = arith.constant dense<0.000000e+00> : vector<1x128xf32>
      %dot_general3A_358 = tpu.matmul %select_n3A_353, %get3A_356, %dot_general3A_357 {dimension_numbers = #tpu.dot_dimension_numbers<[1], [0], [0], [1], [0, 0, 1, 1], [], []>, transpose_lhs_hint = false} : vector<1x64xf32>, vector<64x128xf32>, vector<1x128xf32> -> vector<1x128xf32>
      %add3A_359 = arith.addf %add3A_341, %dot_general3A_358 : vector<1x128xf32>
      %get3A_360 = arith.constant 8 : index
      %get3A_361 = arith.constant 0 : index
      %get3A_362 = vector.load %arg2[%get3A_360, %get3A_361] : memref<24x128xf32, #tpu.memory_space<vmem>>, vector<1x128xf32>
      %get3A_363 = arith.constant 8 : index
      %get3A_364 = memref.load %arg1[%get3A_363] : memref<20xi32, #tpu.memory_space<smem>>
      %rem3A_365 = arith.constant 2 : i32
      %rem3A_366 = arith.remsi %get3A_364, %rem3A_365 : i32
      %eq3A_367 = arith.constant 0 : i32
      %eq3A_368 = arith.cmpi eq, %rem3A_366, %eq3A_367 : i32
      %slice3A_369 = vector.extract_strided_slice %get3A_362 {offsets = [0, 0], sizes = [1, 64], strides = [1, 1]} : vector<1x128xf32> to vector<1x64xf32>
      %slice3A_370 = vector.extract_strided_slice %get3A_362 {offsets = [0, 64], sizes = [1, 64], strides = [1, 1]} : vector<1x128xf32> to vector<1x64xf32>
      %select_n3A_371 = arith.select %eq3A_368, %slice3A_369, %slice3A_370 : vector<1x64xf32>
      %get3A_372 = arith.constant 512 : index
      %get3A_373 = arith.constant 0 : index
      %get3A_374 = vector.load %arg3[%get3A_372, %get3A_373] : memref<1280x128xf32, #tpu.memory_space<vmem>>, vector<64x128xf32>
      %dot_general3A_375 = arith.constant dense<0.000000e+00> : vector<1x128xf32>
      %dot_general3A_376 = tpu.matmul %select_n3A_371, %get3A_374, %dot_general3A_375 {dimension_numbers = #tpu.dot_dimension_numbers<[1], [0], [0], [1], [0, 0, 1, 1], [], []>, transpose_lhs_hint = false} : vector<1x64xf32>, vector<64x128xf32>, vector<1x128xf32> -> vector<1x128xf32>
      %add3A_377 = arith.addf %add3A_359, %dot_general3A_376 : vector<1x128xf32>
      %get3A_378 = arith.constant 9 : index
      %get3A_379 = arith.constant 0 : index
      %get3A_380 = vector.load %arg2[%get3A_378, %get3A_379] : memref<24x128xf32, #tpu.memory_space<vmem>>, vector<1x128xf32>
      %get3A_381 = arith.constant 9 : index
      %get3A_382 = memref.load %arg1[%get3A_381] : memref<20xi32, #tpu.memory_space<smem>>
      %rem3A_383 = arith.constant 2 : i32
      %rem3A_384 = arith.remsi %get3A_382, %rem3A_383 : i32
      %eq3A_385 = arith.constant 0 : i32
      %eq3A_386 = arith.cmpi eq, %rem3A_384, %eq3A_385 : i32
      %slice3A_387 = vector.extract_strided_slice %get3A_380 {offsets = [0, 0], sizes = [1, 64], strides = [1, 1]} : vector<1x128xf32> to vector<1x64xf32>
      %slice3A_388 = vector.extract_strided_slice %get3A_380 {offsets = [0, 64], sizes = [1, 64], strides = [1, 1]} : vector<1x128xf32> to vector<1x64xf32>
      %select_n3A_389 = arith.select %eq3A_386, %slice3A_387, %slice3A_388 : vector<1x64xf32>
      %get3A_390 = arith.constant 576 : index
      %get3A_391 = arith.constant 0 : index
      %get3A_392 = vector.load %arg3[%get3A_390, %get3A_391] : memref<1280x128xf32, #tpu.memory_space<vmem>>, vector<64x128xf32>
      %dot_general3A_393 = arith.constant dense<0.000000e+00> : vector<1x128xf32>
      %dot_general3A_394 = tpu.matmul %select_n3A_389, %get3A_392, %dot_general3A_393 {dimension_numbers = #tpu.dot_dimension_numbers<[1], [0], [0], [1], [0, 0, 1, 1], [], []>, transpose_lhs_hint = false} : vector<1x64xf32>, vector<64x128xf32>, vector<1x128xf32> -> vector<1x128xf32>
      %add3A_395 = arith.addf %add3A_377, %dot_general3A_394 : vector<1x128xf32>
      %get3A_396 = arith.constant 10 : index
      %get3A_397 = arith.constant 0 : index
      %get3A_398 = vector.load %arg2[%get3A_396, %get3A_397] : memref<24x128xf32, #tpu.memory_space<vmem>>, vector<1x128xf32>
      %get3A_399 = arith.constant 10 : index
      %get3A_400 = memref.load %arg1[%get3A_399] : memref<20xi32, #tpu.memory_space<smem>>
      %rem3A_401 = arith.constant 2 : i32
      %rem3A_402 = arith.remsi %get3A_400, %rem3A_401 : i32
      %eq3A_403 = arith.constant 0 : i32
      %eq3A_404 = arith.cmpi eq, %rem3A_402, %eq3A_403 : i32
      %slice3A_405 = vector.extract_strided_slice %get3A_398 {offsets = [0, 0], sizes = [1, 64], strides = [1, 1]} : vector<1x128xf32> to vector<1x64xf32>
      %slice3A_406 = vector.extract_strided_slice %get3A_398 {offsets = [0, 64], sizes = [1, 64], strides = [1, 1]} : vector<1x128xf32> to vector<1x64xf32>
      %select_n3A_407 = arith.select %eq3A_404, %slice3A_405, %slice3A_406 : vector<1x64xf32>
      %get3A_408 = arith.constant 640 : index
      %get3A_409 = arith.constant 0 : index
      %get3A_410 = vector.load %arg3[%get3A_408, %get3A_409] : memref<1280x128xf32, #tpu.memory_space<vmem>>, vector<64x128xf32>
      %dot_general3A_411 = arith.constant dense<0.000000e+00> : vector<1x128xf32>
      %dot_general3A_412 = tpu.matmul %select_n3A_407, %get3A_410, %dot_general3A_411 {dimension_numbers = #tpu.dot_dimension_numbers<[1], [0], [0], [1], [0, 0, 1, 1], [], []>, transpose_lhs_hint = false} : vector<1x64xf32>, vector<64x128xf32>, vector<1x128xf32> -> vector<1x128xf32>
      %add3A_413 = arith.addf %add3A_395, %dot_general3A_412 : vector<1x128xf32>
      %get3A_414 = arith.constant 11 : index
      %get3A_415 = arith.constant 0 : index
      %get3A_416 = vector.load %arg2[%get3A_414, %get3A_415] : memref<24x128xf32, #tpu.memory_space<vmem>>, vector<1x128xf32>
      %get3A_417 = arith.constant 11 : index
      %get3A_418 = memref.load %arg1[%get3A_417] : memref<20xi32, #tpu.memory_space<smem>>
      %rem3A_419 = arith.constant 2 : i32
      %rem3A_420 = arith.remsi %get3A_418, %rem3A_419 : i32
      %eq3A_421 = arith.constant 0 : i32
      %eq3A_422 = arith.cmpi eq, %rem3A_420, %eq3A_421 : i32
      %slice3A_423 = vector.extract_strided_slice %get3A_416 {offsets = [0, 0], sizes = [1, 64], strides = [1, 1]} : vector<1x128xf32> to vector<1x64xf32>
      %slice3A_424 = vector.extract_strided_slice %get3A_416 {offsets = [0, 64], sizes = [1, 64], strides = [1, 1]} : vector<1x128xf32> to vector<1x64xf32>
      %select_n3A_425 = arith.select %eq3A_422, %slice3A_423, %slice3A_424 : vector<1x64xf32>
      %get3A_426 = arith.constant 704 : index
      %get3A_427 = arith.constant 0 : index
      %get3A_428 = vector.load %arg3[%get3A_426, %get3A_427] : memref<1280x128xf32, #tpu.memory_space<vmem>>, vector<64x128xf32>
      %dot_general3A_429 = arith.constant dense<0.000000e+00> : vector<1x128xf32>
      %dot_general3A_430 = tpu.matmul %select_n3A_425, %get3A_428, %dot_general3A_429 {dimension_numbers = #tpu.dot_dimension_numbers<[1], [0], [0], [1], [0, 0, 1, 1], [], []>, transpose_lhs_hint = false} : vector<1x64xf32>, vector<64x128xf32>, vector<1x128xf32> -> vector<1x128xf32>
      %add3A_431 = arith.addf %add3A_413, %dot_general3A_430 : vector<1x128xf32>
      %get3A_432 = arith.constant 12 : index
      %get3A_433 = arith.constant 0 : index
      %get3A_434 = vector.load %arg2[%get3A_432, %get3A_433] : memref<24x128xf32, #tpu.memory_space<vmem>>, vector<1x128xf32>
      %get3A_435 = arith.constant 12 : index
      %get3A_436 = memref.load %arg1[%get3A_435] : memref<20xi32, #tpu.memory_space<smem>>
      %rem3A_437 = arith.constant 2 : i32
      %rem3A_438 = arith.remsi %get3A_436, %rem3A_437 : i32
      %eq3A_439 = arith.constant 0 : i32
      %eq3A_440 = arith.cmpi eq, %rem3A_438, %eq3A_439 : i32
      %slice3A_441 = vector.extract_strided_slice %get3A_434 {offsets = [0, 0], sizes = [1, 64], strides = [1, 1]} : vector<1x128xf32> to vector<1x64xf32>
      %slice3A_442 = vector.extract_strided_slice %get3A_434 {offsets = [0, 64], sizes = [1, 64], strides = [1, 1]} : vector<1x128xf32> to vector<1x64xf32>
      %select_n3A_443 = arith.select %eq3A_440, %slice3A_441, %slice3A_442 : vector<1x64xf32>
      %get3A_444 = arith.constant 768 : index
      %get3A_445 = arith.constant 0 : index
      %get3A_446 = vector.load %arg3[%get3A_444, %get3A_445] : memref<1280x128xf32, #tpu.memory_space<vmem>>, vector<64x128xf32>
      %dot_general3A_447 = arith.constant dense<0.000000e+00> : vector<1x128xf32>
      %dot_general3A_448 = tpu.matmul %select_n3A_443, %get3A_446, %dot_general3A_447 {dimension_numbers = #tpu.dot_dimension_numbers<[1], [0], [0], [1], [0, 0, 1, 1], [], []>, transpose_lhs_hint = false} : vector<1x64xf32>, vector<64x128xf32>, vector<1x128xf32> -> vector<1x128xf32>
      %add3A_449 = arith.addf %add3A_431, %dot_general3A_448 : vector<1x128xf32>
      %get3A_450 = arith.constant 13 : index
      %get3A_451 = arith.constant 0 : index
      %get3A_452 = vector.load %arg2[%get3A_450, %get3A_451] : memref<24x128xf32, #tpu.memory_space<vmem>>, vector<1x128xf32>
      %get3A_453 = arith.constant 13 : index
      %get3A_454 = memref.load %arg1[%get3A_453] : memref<20xi32, #tpu.memory_space<smem>>
      %rem3A_455 = arith.constant 2 : i32
      %rem3A_456 = arith.remsi %get3A_454, %rem3A_455 : i32
      %eq3A_457 = arith.constant 0 : i32
      %eq3A_458 = arith.cmpi eq, %rem3A_456, %eq3A_457 : i32
      %slice3A_459 = vector.extract_strided_slice %get3A_452 {offsets = [0, 0], sizes = [1, 64], strides = [1, 1]} : vector<1x128xf32> to vector<1x64xf32>
      %slice3A_460 = vector.extract_strided_slice %get3A_452 {offsets = [0, 64], sizes = [1, 64], strides = [1, 1]} : vector<1x128xf32> to vector<1x64xf32>
      %select_n3A_461 = arith.select %eq3A_458, %slice3A_459, %slice3A_460 : vector<1x64xf32>
      %get3A_462 = arith.constant 832 : index
      %get3A_463 = arith.constant 0 : index
      %get3A_464 = vector.load %arg3[%get3A_462, %get3A_463] : memref<1280x128xf32, #tpu.memory_space<vmem>>, vector<64x128xf32>
      %dot_general3A_465 = arith.constant dense<0.000000e+00> : vector<1x128xf32>
      %dot_general3A_466 = tpu.matmul %select_n3A_461, %get3A_464, %dot_general3A_465 {dimension_numbers = #tpu.dot_dimension_numbers<[1], [0], [0], [1], [0, 0, 1, 1], [], []>, transpose_lhs_hint = false} : vector<1x64xf32>, vector<64x128xf32>, vector<1x128xf32> -> vector<1x128xf32>
      %add3A_467 = arith.addf %add3A_449, %dot_general3A_466 : vector<1x128xf32>
      %get3A_468 = arith.constant 14 : index
      %get3A_469 = arith.constant 0 : index
      %get3A_470 = vector.load %arg2[%get3A_468, %get3A_469] : memref<24x128xf32, #tpu.memory_space<vmem>>, vector<1x128xf32>
      %get3A_471 = arith.constant 14 : index
      %get3A_472 = memref.load %arg1[%get3A_471] : memref<20xi32, #tpu.memory_space<smem>>
      %rem3A_473 = arith.constant 2 : i32
      %rem3A_474 = arith.remsi %get3A_472, %rem3A_473 : i32
      %eq3A_475 = arith.constant 0 : i32
      %eq3A_476 = arith.cmpi eq, %rem3A_474, %eq3A_475 : i32
      %slice3A_477 = vector.extract_strided_slice %get3A_470 {offsets = [0, 0], sizes = [1, 64], strides = [1, 1]} : vector<1x128xf32> to vector<1x64xf32>
      %slice3A_478 = vector.extract_strided_slice %get3A_470 {offsets = [0, 64], sizes = [1, 64], strides = [1, 1]} : vector<1x128xf32> to vector<1x64xf32>
      %select_n3A_479 = arith.select %eq3A_476, %slice3A_477, %slice3A_478 : vector<1x64xf32>
      %get3A_480 = arith.constant 896 : index
      %get3A_481 = arith.constant 0 : index
      %get3A_482 = vector.load %arg3[%get3A_480, %get3A_481] : memref<1280x128xf32, #tpu.memory_space<vmem>>, vector<64x128xf32>
      %dot_general3A_483 = arith.constant dense<0.000000e+00> : vector<1x128xf32>
      %dot_general3A_484 = tpu.matmul %select_n3A_479, %get3A_482, %dot_general3A_483 {dimension_numbers = #tpu.dot_dimension_numbers<[1], [0], [0], [1], [0, 0, 1, 1], [], []>, transpose_lhs_hint = false} : vector<1x64xf32>, vector<64x128xf32>, vector<1x128xf32> -> vector<1x128xf32>
      %add3A_485 = arith.addf %add3A_467, %dot_general3A_484 : vector<1x128xf32>
      %get3A_486 = arith.constant 15 : index
      %get3A_487 = arith.constant 0 : index
      %get3A_488 = vector.load %arg2[%get3A_486, %get3A_487] : memref<24x128xf32, #tpu.memory_space<vmem>>, vector<1x128xf32>
      %get3A_489 = arith.constant 15 : index
      %get3A_490 = memref.load %arg1[%get3A_489] : memref<20xi32, #tpu.memory_space<smem>>
      %rem3A_491 = arith.constant 2 : i32
      %rem3A_492 = arith.remsi %get3A_490, %rem3A_491 : i32
      %eq3A_493 = arith.constant 0 : i32
      %eq3A_494 = arith.cmpi eq, %rem3A_492, %eq3A_493 : i32
      %slice3A_495 = vector.extract_strided_slice %get3A_488 {offsets = [0, 0], sizes = [1, 64], strides = [1, 1]} : vector<1x128xf32> to vector<1x64xf32>
      %slice3A_496 = vector.extract_strided_slice %get3A_488 {offsets = [0, 64], sizes = [1, 64], strides = [1, 1]} : vector<1x128xf32> to vector<1x64xf32>
      %select_n3A_497 = arith.select %eq3A_494, %slice3A_495, %slice3A_496 : vector<1x64xf32>
      %get3A_498 = arith.constant 960 : index
      %get3A_499 = arith.constant 0 : index
      %get3A_500 = vector.load %arg3[%get3A_498, %get3A_499] : memref<1280x128xf32, #tpu.memory_space<vmem>>, vector<64x128xf32>
      %dot_general3A_501 = arith.constant dense<0.000000e+00> : vector<1x128xf32>
      %dot_general3A_502 = tpu.matmul %select_n3A_497, %get3A_500, %dot_general3A_501 {dimension_numbers = #tpu.dot_dimension_numbers<[1], [0], [0], [1], [0, 0, 1, 1], [], []>, transpose_lhs_hint = false} : vector<1x64xf32>, vector<64x128xf32>, vector<1x128xf32> -> vector<1x128xf32>
      %add3A_503 = arith.addf %add3A_485, %dot_general3A_502 : vector<1x128xf32>
      %get3A_504 = arith.constant 16 : index
      %get3A_505 = arith.constant 0 : index
      %get3A_506 = vector.load %arg2[%get3A_504, %get3A_505] : memref<24x128xf32, #tpu.memory_space<vmem>>, vector<1x128xf32>
      %get3A_507 = arith.constant 16 : index
      %get3A_508 = memref.load %arg1[%get3A_507] : memref<20xi32, #tpu.memory_space<smem>>
      %rem3A_509 = arith.constant 2 : i32
      %rem3A_510 = arith.remsi %get3A_508, %rem3A_509 : i32
      %eq3A_511 = arith.constant 0 : i32
      %eq3A_512 = arith.cmpi eq, %rem3A_510, %eq3A_511 : i32
      %slice3A_513 = vector.extract_strided_slice %get3A_506 {offsets = [0, 0], sizes = [1, 64], strides = [1, 1]} : vector<1x128xf32> to vector<1x64xf32>
      %slice3A_514 = vector.extract_strided_slice %get3A_506 {offsets = [0, 64], sizes = [1, 64], strides = [1, 1]} : vector<1x128xf32> to vector<1x64xf32>
      %select_n3A_515 = arith.select %eq3A_512, %slice3A_513, %slice3A_514 : vector<1x64xf32>
      %get3A_516 = arith.constant 1024 : index
      %get3A_517 = arith.constant 0 : index
      %get3A_518 = vector.load %arg3[%get3A_516, %get3A_517] : memref<1280x128xf32, #tpu.memory_space<vmem>>, vector<64x128xf32>
      %dot_general3A_519 = arith.constant dense<0.000000e+00> : vector<1x128xf32>
      %dot_general3A_520 = tpu.matmul %select_n3A_515, %get3A_518, %dot_general3A_519 {dimension_numbers = #tpu.dot_dimension_numbers<[1], [0], [0], [1], [0, 0, 1, 1], [], []>, transpose_lhs_hint = false} : vector<1x64xf32>, vector<64x128xf32>, vector<1x128xf32> -> vector<1x128xf32>
      %add3A_521 = arith.addf %add3A_503, %dot_general3A_520 : vector<1x128xf32>
      %get3A_522 = arith.constant 17 : index
      %get3A_523 = arith.constant 0 : index
      %get3A_524 = vector.load %arg2[%get3A_522, %get3A_523] : memref<24x128xf32, #tpu.memory_space<vmem>>, vector<1x128xf32>
      %get3A_525 = arith.constant 17 : index
      %get3A_526 = memref.load %arg1[%get3A_525] : memref<20xi32, #tpu.memory_space<smem>>
      %rem3A_527 = arith.constant 2 : i32
      %rem3A_528 = arith.remsi %get3A_526, %rem3A_527 : i32
      %eq3A_529 = arith.constant 0 : i32
      %eq3A_530 = arith.cmpi eq, %rem3A_528, %eq3A_529 : i32
      %slice3A_531 = vector.extract_strided_slice %get3A_524 {offsets = [0, 0], sizes = [1, 64], strides = [1, 1]} : vector<1x128xf32> to vector<1x64xf32>
      %slice3A_532 = vector.extract_strided_slice %get3A_524 {offsets = [0, 64], sizes = [1, 64], strides = [1, 1]} : vector<1x128xf32> to vector<1x64xf32>
      %select_n3A_533 = arith.select %eq3A_530, %slice3A_531, %slice3A_532 : vector<1x64xf32>
      %get3A_534 = arith.constant 1088 : index
      %get3A_535 = arith.constant 0 : index
      %get3A_536 = vector.load %arg3[%get3A_534, %get3A_535] : memref<1280x128xf32, #tpu.memory_space<vmem>>, vector<64x128xf32>
      %dot_general3A_537 = arith.constant dense<0.000000e+00> : vector<1x128xf32>
      %dot_general3A_538 = tpu.matmul %select_n3A_533, %get3A_536, %dot_general3A_537 {dimension_numbers = #tpu.dot_dimension_numbers<[1], [0], [0], [1], [0, 0, 1, 1], [], []>, transpose_lhs_hint = false} : vector<1x64xf32>, vector<64x128xf32>, vector<1x128xf32> -> vector<1x128xf32>
      %add3A_539 = arith.addf %add3A_521, %dot_general3A_538 : vector<1x128xf32>
      %get3A_540 = arith.constant 18 : index
      %get3A_541 = arith.constant 0 : index
      %get3A_542 = vector.load %arg2[%get3A_540, %get3A_541] : memref<24x128xf32, #tpu.memory_space<vmem>>, vector<1x128xf32>
      %get3A_543 = arith.constant 18 : index
      %get3A_544 = memref.load %arg1[%get3A_543] : memref<20xi32, #tpu.memory_space<smem>>
      %rem3A_545 = arith.constant 2 : i32
      %rem3A_546 = arith.remsi %get3A_544, %rem3A_545 : i32
      %eq3A_547 = arith.constant 0 : i32
      %eq3A_548 = arith.cmpi eq, %rem3A_546, %eq3A_547 : i32
      %slice3A_549 = vector.extract_strided_slice %get3A_542 {offsets = [0, 0], sizes = [1, 64], strides = [1, 1]} : vector<1x128xf32> to vector<1x64xf32>
      %slice3A_550 = vector.extract_strided_slice %get3A_542 {offsets = [0, 64], sizes = [1, 64], strides = [1, 1]} : vector<1x128xf32> to vector<1x64xf32>
      %select_n3A_551 = arith.select %eq3A_548, %slice3A_549, %slice3A_550 : vector<1x64xf32>
      %get3A_552 = arith.constant 1152 : index
      %get3A_553 = arith.constant 0 : index
      %get3A_554 = vector.load %arg3[%get3A_552, %get3A_553] : memref<1280x128xf32, #tpu.memory_space<vmem>>, vector<64x128xf32>
      %dot_general3A_555 = arith.constant dense<0.000000e+00> : vector<1x128xf32>
      %dot_general3A_556 = tpu.matmul %select_n3A_551, %get3A_554, %dot_general3A_555 {dimension_numbers = #tpu.dot_dimension_numbers<[1], [0], [0], [1], [0, 0, 1, 1], [], []>, transpose_lhs_hint = false} : vector<1x64xf32>, vector<64x128xf32>, vector<1x128xf32> -> vector<1x128xf32>
      %add3A_557 = arith.addf %add3A_539, %dot_general3A_556 : vector<1x128xf32>
      %get3A_558 = arith.constant 19 : index
      %get3A_559 = arith.constant 0 : index
      %get3A_560 = vector.load %arg2[%get3A_558, %get3A_559] : memref<24x128xf32, #tpu.memory_space<vmem>>, vector<1x128xf32>
      %get3A_561 = arith.constant 19 : index
      %get3A_562 = memref.load %arg1[%get3A_561] : memref<20xi32, #tpu.memory_space<smem>>
      %rem3A_563 = arith.constant 2 : i32
      %rem3A_564 = arith.remsi %get3A_562, %rem3A_563 : i32
      %eq3A_565 = arith.constant 0 : i32
      %eq3A_566 = arith.cmpi eq, %rem3A_564, %eq3A_565 : i32
      %slice3A_567 = vector.extract_strided_slice %get3A_560 {offsets = [0, 0], sizes = [1, 64], strides = [1, 1]} : vector<1x128xf32> to vector<1x64xf32>
      %slice3A_568 = vector.extract_strided_slice %get3A_560 {offsets = [0, 64], sizes = [1, 64], strides = [1, 1]} : vector<1x128xf32> to vector<1x64xf32>
      %select_n3A_569 = arith.select %eq3A_566, %slice3A_567, %slice3A_568 : vector<1x64xf32>
      %get3A_570 = arith.constant 1216 : index
      %get3A_571 = arith.constant 0 : index
      %get3A_572 = vector.load %arg3[%get3A_570, %get3A_571] : memref<1280x128xf32, #tpu.memory_space<vmem>>, vector<64x128xf32>
      %dot_general3A_573 = arith.constant dense<0.000000e+00> : vector<1x128xf32>
      %dot_general3A_574 = tpu.matmul %select_n3A_569, %get3A_572, %dot_general3A_573 {dimension_numbers = #tpu.dot_dimension_numbers<[1], [0], [0], [1], [0, 0, 1, 1], [], []>, transpose_lhs_hint = false} : vector<1x64xf32>, vector<64x128xf32>, vector<1x128xf32> -> vector<1x128xf32>
      %add3A_575 = arith.addf %add3A_557, %dot_general3A_574 : vector<1x128xf32>
      %max3A_576 = arith.constant 0.000000e+00 : f32
      %max3A_577 = vector.broadcast %max3A_576 : f32 to vector<1x128xf32>
      %max3A_578 = arith.maximumf %add3A_575, %max3A_577 : vector<1x128xf32>
      %swap3A_579 = arith.constant 0 : index
      %swap3A_580 = arith.constant 0 : index
      %swap3A_581 = vector.load %arg14[%swap3A_579, %swap3A_580] : memref<1x128xf32, #tpu.memory_space<vmem>>, vector<1x128xf32>
      tpu.vector_store %arg14[%swap3A_579, %swap3A_580], %max3A_578 {strides = array<i32>} : memref<1x128xf32, #tpu.memory_space<vmem>>, vector<1x128xf32>,
      %broadcast_in_dim3A_582 = arith.constant 0xFF800000 : f32
      %broadcast_in_dim3A_583 = vector.broadcast %broadcast_in_dim3A_582 : f32 to vector<1x2048xf32>
      %swap3A_584 = arith.constant 0 : index
      %swap3A_585 = arith.constant 0 : index
      %swap3A_586 = vector.load %arg15[%swap3A_584, %swap3A_585] : memref<1x2048xf32, #tpu.memory_space<vmem>>, vector<1x2048xf32>
      tpu.vector_store %arg15[%swap3A_584, %swap3A_585], %broadcast_in_dim3A_583 {strides = array<i32>} : memref<1x2048xf32, #tpu.memory_space<vmem>>, vector<1x2048xf32>,
    } else {
    }
    %get3A = arith.constant 0 : index
    %get3A_2 = arith.constant 0 : index
    %get3A_3 = vector.load %arg14[%get3A, %get3A_2] : memref<1x128xf32, #tpu.memory_space<vmem>>, vector<1x128xf32>
    %get3A_4 = arith.constant 0 : index
    %get3A_5 = arith.constant 0 : index
    %get3A_6 = vector.load %arg15[%get3A_4, %get3A_5] : memref<1x2048xf32, #tpu.memory_space<vmem>>, vector<1x2048xf32>
    %add3A = arith.constant 0 : i32
    %add3A_7 = arith.addi %add3A, %arg0 : i32
    %get3A_8 = arith.constant 0 : index
    %get3A_9 = arith.constant 0 : index
    %get3A_10 = vector.load %arg5[%get3A_8, %get3A_9] : memref<128x2048xf32, #tpu.memory_space<vmem>>, vector<128x2048xf32>
    %dot_general3A = arith.constant dense<0.000000e+00> : vector<1x2048xf32>
    %dot_general3A_11 = tpu.matmul %get3A_3, %get3A_10, %dot_general3A {dimension_numbers = #tpu.dot_dimension_numbers<[1], [0], [0], [1], [0, 0, 1, 1], [], []>, transpose_lhs_hint = false} : vector<1x128xf32>, vector<128x2048xf32>, vector<1x2048xf32> -> vector<1x2048xf32>
    %mul3A = arith.constant 2048 : i32
    %mul3A_12 = arith.muli %add3A_7, %mul3A : i32
    %get3A_13 = arith.constant 0 : index
    %get3A_14 = arith.index_cast %mul3A_12 : i32 to index
    %get3A_15 = vector.load %arg12[%get3A_13, %get3A_14] : memref<1x100352xf32, #tpu.memory_space<vmem>>, vector<1x2048xf32>
    %add3A_16 = arith.addf %dot_general3A_11, %get3A_15 : vector<1x2048xf32>
    %iota3A = tpu.iota {dimensions = array<i32: 1>} : vector<1x2048xi32>
    %mul3A_17 = arith.constant 2048 : i32
    %mul3A_18 = arith.muli %add3A_7, %mul3A_17 : i32
    %add3A_19 = vector.broadcast %mul3A_18 : i32 to vector<1x2048xi32>
    %add3A_20 = arith.addi %iota3A, %add3A_19 : vector<1x2048xi32>
    %lt3A = arith.constant 100000 : i32
    %lt3A_21 = vector.broadcast %lt3A : i32 to vector<1x2048xi32>
    %lt3A_22 = arith.cmpi slt, %add3A_20, %lt3A_21 : vector<1x2048xi32>
    %jit3A = arith.constant 0xFF800000 : f32
    %broadcast_in_dim3A = vector.broadcast %jit3A : f32 to vector<1x2048xf32>
    %select_n3A = arith.select %lt3A_22, %add3A_16, %broadcast_in_dim3A : vector<1x2048xi1>, vector<1x2048xf32>
    %mul3A_23 = arith.constant 2048 : i32
    %mul3A_24 = arith.muli %add3A_7, %mul3A_23 : i32
    %swap3A = arith.constant 0 : index
    %swap3A_25 = arith.index_cast %mul3A_24 : i32 to index
    %swap3A_26 = vector.load %arg13[%swap3A, %swap3A_25] : memref<1x100352xf32, #tpu.memory_space<vmem>>, vector<1x2048xf32>
    tpu.vector_store %arg13[%swap3A, %swap3A_25], %select_n3A {strides = array<i32>} : memref<1x100352xf32, #tpu.memory_space<vmem>>, vector<1x2048xf32>,
    %max3A = arith.maximumf %get3A_6, %select_n3A : vector<1x2048xf32>
    %add3A_27 = arith.constant 7 : i32
    %add3A_28 = arith.addi %add3A_27, %arg0 : i32
    %get3A_29 = arith.constant 0 : index
    %get3A_30 = arith.constant 0 : index
    %get3A_31 = vector.load %arg6[%get3A_29, %get3A_30] : memref<128x2048xf32, #tpu.memory_space<vmem>>, vector<128x2048xf32>
    %dot_general3A_32 = arith.constant dense<0.000000e+00> : vector<1x2048xf32>
    %dot_general3A_33 = tpu.matmul %get3A_3, %get3A_31, %dot_general3A_32 {dimension_numbers = #tpu.dot_dimension_numbers<[1], [0], [0], [1], [0, 0, 1, 1], [], []>, transpose_lhs_hint = false} : vector<1x128xf32>, vector<128x2048xf32>, vector<1x2048xf32> -> vector<1x2048xf32>
    %mul3A_34 = arith.constant 2048 : i32
    %mul3A_35 = arith.muli %add3A_28, %mul3A_34 : i32
    %get3A_36 = arith.constant 0 : index
    %get3A_37 = arith.index_cast %mul3A_35 : i32 to index
    %get3A_38 = vector.load %arg12[%get3A_36, %get3A_37] : memref<1x100352xf32, #tpu.memory_space<vmem>>, vector<1x2048xf32>
    %add3A_39 = arith.addf %dot_general3A_33, %get3A_38 : vector<1x2048xf32>
    %iota3A_40 = tpu.iota {dimensions = array<i32: 1>} : vector<1x2048xi32>
    %mul3A_41 = arith.constant 2048 : i32
    %mul3A_42 = arith.muli %add3A_28, %mul3A_41 : i32
    %add3A_43 = vector.broadcast %mul3A_42 : i32 to vector<1x2048xi32>
    %add3A_44 = arith.addi %iota3A_40, %add3A_43 : vector<1x2048xi32>
    %lt3A_45 = arith.constant 100000 : i32
    %lt3A_46 = vector.broadcast %lt3A_45 : i32 to vector<1x2048xi32>
    %lt3A_47 = arith.cmpi slt, %add3A_44, %lt3A_46 : vector<1x2048xi32>
    %jit3A_48 = arith.constant 0xFF800000 : f32
    %broadcast_in_dim3A_49 = vector.broadcast %jit3A_48 : f32 to vector<1x2048xf32>
    %select_n3A_50 = arith.select %lt3A_47, %add3A_39, %broadcast_in_dim3A_49 : vector<1x2048xi1>, vector<1x2048xf32>
    %mul3A_51 = arith.constant 2048 : i32
    %mul3A_52 = arith.muli %add3A_28, %mul3A_51 : i32
    %swap3A_53 = arith.constant 0 : index
    %swap3A_54 = arith.index_cast %mul3A_52 : i32 to index
    %swap3A_55 = vector.load %arg13[%swap3A_53, %swap3A_54] : memref<1x100352xf32, #tpu.memory_space<vmem>>, vector<1x2048xf32>
    tpu.vector_store %arg13[%swap3A_53, %swap3A_54], %select_n3A_50 {strides = array<i32>} : memref<1x100352xf32, #tpu.memory_space<vmem>>, vector<1x2048xf32>,
    %max3A_56 = arith.maximumf %max3A, %select_n3A_50 : vector<1x2048xf32>
    %add3A_57 = arith.constant 14 : i32
    %add3A_58 = arith.addi %add3A_57, %arg0 : i32
    %get3A_59 = arith.constant 0 : index
    %get3A_60 = arith.constant 0 : index
    %get3A_61 = vector.load %arg7[%get3A_59, %get3A_60] : memref<128x2048xf32, #tpu.memory_space<vmem>>, vector<128x2048xf32>
    %dot_general3A_62 = arith.constant dense<0.000000e+00> : vector<1x2048xf32>
    %dot_general3A_63 = tpu.matmul %get3A_3, %get3A_61, %dot_general3A_62 {dimension_numbers = #tpu.dot_dimension_numbers<[1], [0], [0], [1], [0, 0, 1, 1], [], []>, transpose_lhs_hint = false} : vector<1x128xf32>, vector<128x2048xf32>, vector<1x2048xf32> -> vector<1x2048xf32>
    %mul3A_64 = arith.constant 2048 : i32
    %mul3A_65 = arith.muli %add3A_58, %mul3A_64 : i32
    %get3A_66 = arith.constant 0 : index
    %get3A_67 = arith.index_cast %mul3A_65 : i32 to index
    %get3A_68 = vector.load %arg12[%get3A_66, %get3A_67] : memref<1x100352xf32, #tpu.memory_space<vmem>>, vector<1x2048xf32>
    %add3A_69 = arith.addf %dot_general3A_63, %get3A_68 : vector<1x2048xf32>
    %iota3A_70 = tpu.iota {dimensions = array<i32: 1>} : vector<1x2048xi32>
    %mul3A_71 = arith.constant 2048 : i32
    %mul3A_72 = arith.muli %add3A_58, %mul3A_71 : i32
    %add3A_73 = vector.broadcast %mul3A_72 : i32 to vector<1x2048xi32>
    %add3A_74 = arith.addi %iota3A_70, %add3A_73 : vector<1x2048xi32>
    %lt3A_75 = arith.constant 100000 : i32
    %lt3A_76 = vector.broadcast %lt3A_75 : i32 to vector<1x2048xi32>
    %lt3A_77 = arith.cmpi slt, %add3A_74, %lt3A_76 : vector<1x2048xi32>
    %jit3A_78 = arith.constant 0xFF800000 : f32
    %broadcast_in_dim3A_79 = vector.broadcast %jit3A_78 : f32 to vector<1x2048xf32>
    %select_n3A_80 = arith.select %lt3A_77, %add3A_69, %broadcast_in_dim3A_79 : vector<1x2048xi1>, vector<1x2048xf32>
    %mul3A_81 = arith.constant 2048 : i32
    %mul3A_82 = arith.muli %add3A_58, %mul3A_81 : i32
    %swap3A_83 = arith.constant 0 : index
    %swap3A_84 = arith.index_cast %mul3A_82 : i32 to index
    %swap3A_85 = vector.load %arg13[%swap3A_83, %swap3A_84] : memref<1x100352xf32, #tpu.memory_space<vmem>>, vector<1x2048xf32>
    tpu.vector_store %arg13[%swap3A_83, %swap3A_84], %select_n3A_80 {strides = array<i32>} : memref<1x100352xf32, #tpu.memory_space<vmem>>, vector<1x2048xf32>,
    %max3A_86 = arith.maximumf %max3A_56, %select_n3A_80 : vector<1x2048xf32>
    %add3A_87 = arith.constant 21 : i32
    %add3A_88 = arith.addi %add3A_87, %arg0 : i32
    %get3A_89 = arith.constant 0 : index
    %get3A_90 = arith.constant 0 : index
    %get3A_91 = vector.load %arg8[%get3A_89, %get3A_90] : memref<128x2048xf32, #tpu.memory_space<vmem>>, vector<128x2048xf32>
    %dot_general3A_92 = arith.constant dense<0.000000e+00> : vector<1x2048xf32>
    %dot_general3A_93 = tpu.matmul %get3A_3, %get3A_91, %dot_general3A_92 {dimension_numbers = #tpu.dot_dimension_numbers<[1], [0], [0], [1], [0, 0, 1, 1], [], []>, transpose_lhs_hint = false} : vector<1x128xf32>, vector<128x2048xf32>, vector<1x2048xf32> -> vector<1x2048xf32>
    %mul3A_94 = arith.constant 2048 : i32
    %mul3A_95 = arith.muli %add3A_88, %mul3A_94 : i32
    %get3A_96 = arith.constant 0 : index
    %get3A_97 = arith.index_cast %mul3A_95 : i32 to index
    %get3A_98 = vector.load %arg12[%get3A_96, %get3A_97] : memref<1x100352xf32, #tpu.memory_space<vmem>>, vector<1x2048xf32>
    %add3A_99 = arith.addf %dot_general3A_93, %get3A_98 : vector<1x2048xf32>
    %iota3A_100 = tpu.iota {dimensions = array<i32: 1>} : vector<1x2048xi32>
    %mul3A_101 = arith.constant 2048 : i32
    %mul3A_102 = arith.muli %add3A_88, %mul3A_101 : i32
    %add3A_103 = vector.broadcast %mul3A_102 : i32 to vector<1x2048xi32>
    %add3A_104 = arith.addi %iota3A_100, %add3A_103 : vector<1x2048xi32>
    %lt3A_105 = arith.constant 100000 : i32
    %lt3A_106 = vector.broadcast %lt3A_105 : i32 to vector<1x2048xi32>
    %lt3A_107 = arith.cmpi slt, %add3A_104, %lt3A_106 : vector<1x2048xi32>
    %jit3A_108 = arith.constant 0xFF800000 : f32
    %broadcast_in_dim3A_109 = vector.broadcast %jit3A_108 : f32 to vector<1x2048xf32>
    %select_n3A_110 = arith.select %lt3A_107, %add3A_99, %broadcast_in_dim3A_109 : vector<1x2048xi1>, vector<1x2048xf32>
    %mul3A_111 = arith.constant 2048 : i32
    %mul3A_112 = arith.muli %add3A_88, %mul3A_111 : i32
    %swap3A_113 = arith.constant 0 : index
    %swap3A_114 = arith.index_cast %mul3A_112 : i32 to index
    %swap3A_115 = vector.load %arg13[%swap3A_113, %swap3A_114] : memref<1x100352xf32, #tpu.memory_space<vmem>>, vector<1x2048xf32>
    tpu.vector_store %arg13[%swap3A_113, %swap3A_114], %select_n3A_110 {strides = array<i32>} : memref<1x100352xf32, #tpu.memory_space<vmem>>, vector<1x2048xf32>,
    %max3A_116 = arith.maximumf %max3A_86, %select_n3A_110 : vector<1x2048xf32>
    %add3A_117 = arith.constant 28 : i32
    %add3A_118 = arith.addi %add3A_117, %arg0 : i32
    %get3A_119 = arith.constant 0 : index
    %get3A_120 = arith.constant 0 : index
    %get3A_121 = vector.load %arg9[%get3A_119, %get3A_120] : memref<128x2048xf32, #tpu.memory_space<vmem>>, vector<128x2048xf32>
    %dot_general3A_122 = arith.constant dense<0.000000e+00> : vector<1x2048xf32>
    %dot_general3A_123 = tpu.matmul %get3A_3, %get3A_121, %dot_general3A_122 {dimension_numbers = #tpu.dot_dimension_numbers<[1], [0], [0], [1], [0, 0, 1, 1], [], []>, transpose_lhs_hint = false} : vector<1x128xf32>, vector<128x2048xf32>, vector<1x2048xf32> -> vector<1x2048xf32>
    %mul3A_124 = arith.constant 2048 : i32
    %mul3A_125 = arith.muli %add3A_118, %mul3A_124 : i32
    %get3A_126 = arith.constant 0 : index
    %get3A_127 = arith.index_cast %mul3A_125 : i32 to index
    %get3A_128 = vector.load %arg12[%get3A_126, %get3A_127] : memref<1x100352xf32, #tpu.memory_space<vmem>>, vector<1x2048xf32>
    %add3A_129 = arith.addf %dot_general3A_123, %get3A_128 : vector<1x2048xf32>
    %iota3A_130 = tpu.iota {dimensions = array<i32: 1>} : vector<1x2048xi32>
    %mul3A_131 = arith.constant 2048 : i32
    %mul3A_132 = arith.muli %add3A_118, %mul3A_131 : i32
    %add3A_133 = vector.broadcast %mul3A_132 : i32 to vector<1x2048xi32>
    %add3A_134 = arith.addi %iota3A_130, %add3A_133 : vector<1x2048xi32>
    %lt3A_135 = arith.constant 100000 : i32
    %lt3A_136 = vector.broadcast %lt3A_135 : i32 to vector<1x2048xi32>
    %lt3A_137 = arith.cmpi slt, %add3A_134, %lt3A_136 : vector<1x2048xi32>
    %jit3A_138 = arith.constant 0xFF800000 : f32
    %broadcast_in_dim3A_139 = vector.broadcast %jit3A_138 : f32 to vector<1x2048xf32>
    %select_n3A_140 = arith.select %lt3A_137, %add3A_129, %broadcast_in_dim3A_139 : vector<1x2048xi1>, vector<1x2048xf32>
    %mul3A_141 = arith.constant 2048 : i32
    %mul3A_142 = arith.muli %add3A_118, %mul3A_141 : i32
    %swap3A_143 = arith.constant 0 : index
    %swap3A_144 = arith.index_cast %mul3A_142 : i32 to index
    %swap3A_145 = vector.load %arg13[%swap3A_143, %swap3A_144] : memref<1x100352xf32, #tpu.memory_space<vmem>>, vector<1x2048xf32>
    tpu.vector_store %arg13[%swap3A_143, %swap3A_144], %select_n3A_140 {strides = array<i32>} : memref<1x100352xf32, #tpu.memory_space<vmem>>, vector<1x2048xf32>,
    %max3A_146 = arith.maximumf %max3A_116, %select_n3A_140 : vector<1x2048xf32>
    %add3A_147 = arith.constant 35 : i32
    %add3A_148 = arith.addi %add3A_147, %arg0 : i32
    %get3A_149 = arith.constant 0 : index
    %get3A_150 = arith.constant 0 : index
    %get3A_151 = vector.load %arg10[%get3A_149, %get3A_150] : memref<128x2048xf32, #tpu.memory_space<vmem>>, vector<128x2048xf32>
    %dot_general3A_152 = arith.constant dense<0.000000e+00> : vector<1x2048xf32>
    %dot_general3A_153 = tpu.matmul %get3A_3, %get3A_151, %dot_general3A_152 {dimension_numbers = #tpu.dot_dimension_numbers<[1], [0], [0], [1], [0, 0, 1, 1], [], []>, transpose_lhs_hint = false} : vector<1x128xf32>, vector<128x2048xf32>, vector<1x2048xf32> -> vector<1x2048xf32>
    %mul3A_154 = arith.constant 2048 : i32
    %mul3A_155 = arith.muli %add3A_148, %mul3A_154 : i32
    %get3A_156 = arith.constant 0 : index
    %get3A_157 = arith.index_cast %mul3A_155 : i32 to index
    %get3A_158 = vector.load %arg12[%get3A_156, %get3A_157] : memref<1x100352xf32, #tpu.memory_space<vmem>>, vector<1x2048xf32>
    %add3A_159 = arith.addf %dot_general3A_153, %get3A_158 : vector<1x2048xf32>
    %iota3A_160 = tpu.iota {dimensions = array<i32: 1>} : vector<1x2048xi32>
    %mul3A_161 = arith.constant 2048 : i32
    %mul3A_162 = arith.muli %add3A_148, %mul3A_161 : i32
    %add3A_163 = vector.broadcast %mul3A_162 : i32 to vector<1x2048xi32>
    %add3A_164 = arith.addi %iota3A_160, %add3A_163 : vector<1x2048xi32>
    %lt3A_165 = arith.constant 100000 : i32
    %lt3A_166 = vector.broadcast %lt3A_165 : i32 to vector<1x2048xi32>
    %lt3A_167 = arith.cmpi slt, %add3A_164, %lt3A_166 : vector<1x2048xi32>
    %jit3A_168 = arith.constant 0xFF800000 : f32
    %broadcast_in_dim3A_169 = vector.broadcast %jit3A_168 : f32 to vector<1x2048xf32>
    %select_n3A_170 = arith.select %lt3A_167, %add3A_159, %broadcast_in_dim3A_169 : vector<1x2048xi1>, vector<1x2048xf32>
    %mul3A_171 = arith.constant 2048 : i32
    %mul3A_172 = arith.muli %add3A_148, %mul3A_171 : i32
    %swap3A_173 = arith.constant 0 : index
    %swap3A_174 = arith.index_cast %mul3A_172 : i32 to index
    %swap3A_175 = vector.load %arg13[%swap3A_173, %swap3A_174] : memref<1x100352xf32, #tpu.memory_space<vmem>>, vector<1x2048xf32>
    tpu.vector_store %arg13[%swap3A_173, %swap3A_174], %select_n3A_170 {strides = array<i32>} : memref<1x100352xf32, #tpu.memory_space<vmem>>, vector<1x2048xf32>,
    %max3A_176 = arith.maximumf %max3A_146, %select_n3A_170 : vector<1x2048xf32>
    %add3A_177 = arith.constant 42 : i32
    %add3A_178 = arith.addi %add3A_177, %arg0 : i32
    %get3A_179 = arith.constant 0 : index
    %get3A_180 = arith.constant 0 : index
    %get3A_181 = vector.load %arg11[%get3A_179, %get3A_180] : memref<128x2048xf32, #tpu.memory_space<vmem>>, vector<128x2048xf32>
    %dot_general3A_182 = arith.constant dense<0.000000e+00> : vector<1x2048xf32>
    %dot_general3A_183 = tpu.matmul %get3A_3, %get3A_181, %dot_general3A_182 {dimension_numbers = #tpu.dot_dimension_numbers<[1], [0], [0], [1], [0, 0, 1, 1], [], []>, transpose_lhs_hint = false} : vector<1x128xf32>, vector<128x2048xf32>, vector<1x2048xf32> -> vector<1x2048xf32>
    %mul3A_184 = arith.constant 2048 : i32
    %mul3A_185 = arith.muli %add3A_178, %mul3A_184 : i32
    %get3A_186 = arith.constant 0 : index
    %get3A_187 = arith.index_cast %mul3A_185 : i32 to index
    %get3A_188 = vector.load %arg12[%get3A_186, %get3A_187] : memref<1x100352xf32, #tpu.memory_space<vmem>>, vector<1x2048xf32>
    %add3A_189 = arith.addf %dot_general3A_183, %get3A_188 : vector<1x2048xf32>
    %iota3A_190 = tpu.iota {dimensions = array<i32: 1>} : vector<1x2048xi32>
    %mul3A_191 = arith.constant 2048 : i32
    %mul3A_192 = arith.muli %add3A_178, %mul3A_191 : i32
    %add3A_193 = vector.broadcast %mul3A_192 : i32 to vector<1x2048xi32>
    %add3A_194 = arith.addi %iota3A_190, %add3A_193 : vector<1x2048xi32>
    %lt3A_195 = arith.constant 100000 : i32
    %lt3A_196 = vector.broadcast %lt3A_195 : i32 to vector<1x2048xi32>
    %lt3A_197 = arith.cmpi slt, %add3A_194, %lt3A_196 : vector<1x2048xi32>
    %jit3A_198 = arith.constant 0xFF800000 : f32
    %broadcast_in_dim3A_199 = vector.broadcast %jit3A_198 : f32 to vector<1x2048xf32>
    %select_n3A_200 = arith.select %lt3A_197, %add3A_189, %broadcast_in_dim3A_199 : vector<1x2048xi1>, vector<1x2048xf32>
    %mul3A_201 = arith.constant 2048 : i32
    %mul3A_202 = arith.muli %add3A_178, %mul3A_201 : i32
    %swap3A_203 = arith.constant 0 : index
    %swap3A_204 = arith.index_cast %mul3A_202 : i32 to index
    %swap3A_205 = vector.load %arg13[%swap3A_203, %swap3A_204] : memref<1x100352xf32, #tpu.memory_space<vmem>>, vector<1x2048xf32>
    tpu.vector_store %arg13[%swap3A_203, %swap3A_204], %select_n3A_200 {strides = array<i32>} : memref<1x100352xf32, #tpu.memory_space<vmem>>, vector<1x2048xf32>,
    %max3A_206 = arith.maximumf %max3A_176, %select_n3A_200 : vector<1x2048xf32>
    %swap3A_207 = arith.constant 0 : index
    %swap3A_208 = arith.constant 0 : index
    %swap3A_209 = vector.load %arg15[%swap3A_207, %swap3A_208] : memref<1x2048xf32, #tpu.memory_space<vmem>>, vector<1x2048xf32>
    tpu.vector_store %arg15[%swap3A_207, %swap3A_208], %max3A_206 {strides = array<i32>} : memref<1x2048xf32, #tpu.memory_space<vmem>>, vector<1x2048xf32>,
    %eq3A_210 = arith.constant 6 : i32
    %eq3A_211 = arith.cmpi eq, %arg0, %eq3A_210 : i32
    %convert_element_type3A_212 = arith.extui %eq3A_211 : i1 to i32
    %cond3A_213 = arith.constant 0 : i32
    %cond3A_214 = arith.cmpi ne, %convert_element_type3A_212, %cond3A_213 : i32
    scf.if %cond3A_214 {
      %get3A_215 = arith.constant 0 : index
      %get3A_216 = arith.constant 0 : index
      %get3A_217 = vector.load %arg15[%get3A_215, %get3A_216] : memref<1x2048xf32, #tpu.memory_space<vmem>>, vector<1x2048xf32>
      %reduce_max3A = vector.shape_cast %get3A_217 : vector<1x2048xf32> to vector<1x1x2048xf32>
      %reduce_max3A_218 = arith.constant dense<0xFF800000> : vector<1xf32>
      %reduce_max3A_219 = vector.multi_reduction <maximumf>, %reduce_max3A, %reduce_max3A_218 [1, 2] : vector<1x1x2048xf32> to vector<1xf32>
      %reduce_max3A_220 = vector.shape_cast %reduce_max3A_219 : vector<1xf32> to vector<1x1x1xf32>
      %reduce_max3A_221 = vector.extract %reduce_max3A_220[0, 0, 0] : f32 from vector<1x1x1xf32>
      %get3A_222 = arith.constant 0 : index
      %get3A_223 = arith.constant 0 : index
      %get3A_224 = vector.load %arg13[%get3A_222, %get3A_223] : memref<1x100352xf32, #tpu.memory_space<vmem>>, vector<1x100352xf32>
      %sub3A = vector.broadcast %reduce_max3A_221 : f32 to vector<1x100352xf32>
      %sub3A_225 = arith.subf %get3A_224, %sub3A : vector<1x100352xf32>
      %exp3A = math.exp %sub3A_225 : vector<1x100352xf32>
      %reduce_sum3A = vector.shape_cast %exp3A : vector<1x100352xf32> to vector<1x1x100352xf32>
      %reduce_sum3A_226 = arith.constant dense<0.000000e+00> : vector<1xf32>
      %reduce_sum3A_227 = vector.multi_reduction <add>, %reduce_sum3A, %reduce_sum3A_226 [1, 2] : vector<1x1x100352xf32> to vector<1xf32>
      %reduce_sum3A_228 = vector.shape_cast %reduce_sum3A_227 : vector<1xf32> to vector<1x1x1xf32>
      %reduce_sum3A_229 = vector.extract %reduce_sum3A_228[0, 0, 0] : f32 from vector<1x1x1xf32>
      %log3A = math.log %reduce_sum3A_229 : f32
      %add3A_230 = arith.addf %reduce_max3A_221, %log3A : f32
      %sub3A_231 = vector.broadcast %add3A_230 : f32 to vector<1x100352xf32>
      %sub3A_232 = arith.subf %get3A_224, %sub3A_231 : vector<1x100352xf32>
      %swap3A_233 = arith.constant 0 : index
      %swap3A_234 = arith.constant 0 : index
      %swap3A_235 = vector.load %arg13[%swap3A_233, %swap3A_234] : memref<1x100352xf32, #tpu.memory_space<vmem>>, vector<1x100352xf32>
      tpu.vector_store %arg13[%swap3A_233, %swap3A_234], %sub3A_232 {strides = array<i32>} : memref<1x100352xf32, #tpu.memory_space<vmem>>, vector<1x100352xf32>,
    } else {
    }
    return
  }
  func.func @transform_0(%arg0: i32, %arg1: memref<20xi32, #tpu.memory_space<smem>>) -> (i32, i32) {
    %c0_i32 = arith.constant 0 : i32
    %c0_i32_0 = arith.constant 0 : i32
    %c0_i32_1 = arith.constant 0 : i32
    return %c0_i32, %c0_i32_0 : i32, i32
  }
  func.func @transform_1(%arg0: i32, %arg1: memref<20xi32, #tpu.memory_space<smem>>) -> (i32, i32) {
    %c0_i32 = arith.constant 0 : i32
    %c0_i32_0 = arith.constant 0 : i32
    %c0_i32_1 = arith.constant 0 : i32
    return %c0_i32, %c0_i32_0 : i32, i32
  }
  func.func @transform_2(%arg0: i32, %arg1: memref<20xi32, #tpu.memory_space<smem>>) -> (i32, i32) {
    %c0_i32 = arith.constant 0 : i32
    %c0_i32_0 = arith.constant 0 : i32
    %c0_i32_1 = arith.constant 0 : i32
    return %c0_i32, %c0_i32_0 : i32, i32
  }
  func.func @transform_3(%arg0: i32, %arg1: memref<20xi32, #tpu.memory_space<smem>>) -> (i32, i32) {
    %add3A = arith.constant 0 : i32
    %add3A_0 = arith.addi %add3A, %arg0 : i32
    %c0_i32 = arith.constant 0 : i32
    %c0_i32_1 = arith.constant 0 : i32
    return %c0_i32, %add3A_0 : i32, i32
  }
  func.func @transform_4(%arg0: i32, %arg1: memref<20xi32, #tpu.memory_space<smem>>) -> (i32, i32) {
    %add3A = arith.constant 7 : i32
    %add3A_0 = arith.addi %add3A, %arg0 : i32
    %c0_i32 = arith.constant 0 : i32
    %c0_i32_1 = arith.constant 0 : i32
    return %c0_i32, %add3A_0 : i32, i32
  }
  func.func @transform_5(%arg0: i32, %arg1: memref<20xi32, #tpu.memory_space<smem>>) -> (i32, i32) {
    %add3A = arith.constant 14 : i32
    %add3A_0 = arith.addi %add3A, %arg0 : i32
    %c0_i32 = arith.constant 0 : i32
    %c0_i32_1 = arith.constant 0 : i32
    return %c0_i32, %add3A_0 : i32, i32
  }
  func.func @transform_6(%arg0: i32, %arg1: memref<20xi32, #tpu.memory_space<smem>>) -> (i32, i32) {
    %add3A = arith.constant 21 : i32
    %add3A_0 = arith.addi %add3A, %arg0 : i32
    %c0_i32 = arith.constant 0 : i32
    %c0_i32_1 = arith.constant 0 : i32
    return %c0_i32, %add3A_0 : i32, i32
  }
  func.func @transform_7(%arg0: i32, %arg1: memref<20xi32, #tpu.memory_space<smem>>) -> (i32, i32) {
    %add3A = arith.constant 28 : i32
    %add3A_0 = arith.addi %add3A, %arg0 : i32
    %c0_i32 = arith.constant 0 : i32
    %c0_i32_1 = arith.constant 0 : i32
    return %c0_i32, %add3A_0 : i32, i32
  }
  func.func @transform_8(%arg0: i32, %arg1: memref<20xi32, #tpu.memory_space<smem>>) -> (i32, i32) {
    %add3A = arith.constant 35 : i32
    %add3A_0 = arith.addi %add3A, %arg0 : i32
    %c0_i32 = arith.constant 0 : i32
    %c0_i32_1 = arith.constant 0 : i32
    return %c0_i32, %add3A_0 : i32, i32
  }
  func.func @transform_9(%arg0: i32, %arg1: memref<20xi32, #tpu.memory_space<smem>>) -> (i32, i32) {
    %add3A = arith.constant 42 : i32
    %add3A_0 = arith.addi %add3A, %arg0 : i32
    %c0_i32 = arith.constant 0 : i32
    %c0_i32_1 = arith.constant 0 : i32
    return %c0_i32, %add3A_0 : i32, i32
  }
  func.func @transform_10(%arg0: i32, %arg1: memref<20xi32, #tpu.memory_space<smem>>) -> (i32, i32) {
    %c0_i32 = arith.constant 0 : i32
    %c0_i32_0 = arith.constant 0 : i32
    %c0_i32_1 = arith.constant 0 : i32
    return %c0_i32, %c0_i32_0 : i32, i32
  }
  func.func @transform_11(%arg0: i32, %arg1: memref<20xi32, #tpu.memory_space<smem>>) -> (i32, i32) {
    %c0_i32 = arith.constant 0 : i32
    %c0_i32_0 = arith.constant 0 : i32
    %c0_i32_1 = arith.constant 0 : i32
    return %c0_i32, %c0_i32_0 : i32, i32
  }
}

</mosaic_0001>

<sc_bundles>
// kernel: kernel.4.cloned.1.call-start
scs
__scs_entry_jumppad:
0x0: {  	(pc) =	sbr.rel $0x88, $3  }
0x1: {  	(tag) =	ssettag $0x0;
	lr =	simm.s32 $0x1  }
0x2: {  	[smem:$0x3F9B] =	sst lr;
	_ =	strace $0xD0000000  }
0x3: {  	_ = 	snop  }
0x4: {  	_ = 	snop  }
0x5: {  	_ = 	snop  }
0x6: {  	_ = 	snop  }
0x7: {  	_ = 	snop  }
__scs_overlays_trampoline_lowered:
0x8: {  	[smem:$0x3FAA] =	sst s0  }
0x9: {  	[smem:$0x3FAB] =	sst s1  }
0xa: {  	[smem:$0x3FAC] =	sst s2  }
0xb: {  	[smem:$0x3FAD] =	sst s3  }
0xc: {  	[smem:$0x3FAE] =	sst s4  }
0xd: {  	[smem:$0x3FAF] =	sst s5  }
0xe: {  	[smem:$0x3FB0] =	sst s6  }
0xf: {  	[smem:$0x3FB1] =	sst s7  }
0x10: {  	[smem:$0x3FB2] =	sst s8  }
0x11: {  	[smem:$0x3FB3] =	sst s9;
	s0 =	simm.s32 @!p0 $0x0  }
0x12: {  	s1 =	sld [smem:$0x3F99];
	s0 =	simm.s32 @p0 $0x1  }
0x13: {  	[smem:$0x3FB4] =	sst s0;
	s0 =	simm.s32 @!p1 $0x0  }
0x14: {  	s2 =	sld [smem:$0x3F98];
	s0 =	simm.s32 @p1 $0x1  }
0x15: {  	[smem:$0x3FB5] =	sst s0;
	s0 =	simm.s32 @!p2 $0x0  }
0x16: {  	s3 =	sld [smem:$0x3FDB];
	s0 =	simm.s32 @p2 $0x1  }
0x17: {  	s4 =	simm.s32 $0x1BF5;
	[smem:$0x3FB7] =	sst s0  }
0x18: {  	s0 =	sld [smem:$0x3F9A];
	_ =	swait.ge [sflag:s4], $0x0  }
0x19: {  	s7 =	sld [smem:$0x3F9B]  }
0x1a: {  	s8 =	sadd.s32 $0xFFFFE003, lr  }
0x1b: {  	s9 =	sadd.s32 $0xFFFFFEF7, lr;
	s5 =	simm.s32 $0xFFFFFFFF;
	p2 =	slt.u32 s8, $0xFFFFF086  }
0x1c: {  	p1 =	slt.u32 s9, $0xF7A;
	s5 =	simm.s32 @!p2 $0x0  }
0x1d: {  	s5 =	simm.s32 @p1 $0x1;
	p0 =	seq.s32 s7, s2  }
0x1e: {  	s7 =	smul.u32 @!p0 $0xF7A, s2;
	p2 =	seq.s32 @!p0 s5, $0x0  }
0x1f: {  	s9 =	smul.u32 $0xF7A, s1;
	s8 =	simm.s32 @!p0 $0x1BF5;
	p2 =	por !p2, p0  }
0x20: {  	[sflag:s8] =	ssyncset.s32 @!p0 $0xFFFFF086;
	s6 =	sadd.s32 @!p0 s3, s7;
	s7 =	simm.s32 @!p0 $0x108  }
0x21: {  	s3 =	sadd.s32 s3, s9;
	s6 =	sadd.s32 @!p0 $0x88, s6;
	s7 =	simm.s32 @p2 $0x1082  }
0x22: {  	[simem:s7], [sflag:s8] =	dma.local @!p0 [hbm:s6], $0xF7A  }
0x23: {  	s9 =	sor.u32 $0xD0000000, s2;
	s6 =	simm.s32 $0x108;
	_ =	swait.ge @!p0 [sflag:s8], $0x0  }
0x24: {  	s3 =	sadd.s32 $0x88, s3;
	s6 =	simm.s32 @!p1 $0x1082;
	[sflag:s4] =	ssyncset.s32 $0xFFFFF086  }
0x25: {  	[simem:s6], [sflag:s4] =	dma.local [hbm:s3], $0xF7A  }
0x26: {  	[smem:$0x3F9B] =	sst s1;
	(tag) =	ssettag s2;
	_ =	strace s9  }
0x27: {  	s1 =	sld [smem:$0x3FAB]  }
0x28: {  	s2 =	sld [smem:$0x3FAC]  }
0x29: {  	s4 =	sld [smem:$0x3FAE]  }
0x2a: {  	p0 =	seq.s32 s5, $0x0;
	s5 =	sld [smem:$0x3FAF]  }
0x2b: {  	s6 =	sld [smem:$0x3FB0]  }
0x2c: {  	s7 =	sld [smem:$0x3FB1]  }
0x2d: {  	s3 =	simm.s32 $0x108;
	s8 =	sld [smem:$0x3FB2]  }
0x2e: {  	s3 =	simm.s32 @!p0 $0x1082;
	s9 =	sld [smem:$0x3FB3]  }
0x2f: {  	lr =	sadd.s32 s0, s3;
	s0 =	sld [smem:$0x3FAA]  }
0x30: {  	s3 =	sld [smem:$0x3FAD]  }
0x31: {  	[smem:$0x3FB6] =	sst s10  }
0x32: {  	s10 =	sld [smem:$0x3FB4];
	_ =	sdelay $0x3  }
0x33: {  	p0 =	seq.s32 s10, $0x1;
	s10 =	sld [smem:$0x3FB6];
	_ =	sdelay $0x3  }
0x34: {  	[smem:$0x3FB6] =	sst s10  }
0x35: {  	s10 =	sld [smem:$0x3FB5];
	_ =	sdelay $0x3  }
0x36: {  	p1 =	seq.s32 s10, $0x1;
	s10 =	sld [smem:$0x3FB6];
	_ =	sdelay $0x3  }
0x37: {  	[smem:$0x3FB6] =	sst s10  }
0x38: {  	s10 =	sld [smem:$0x3FB7]  }
0x39: {  	_ = 	snop;
	(pc) =	sbr.ind lr, $3  }
0x3a: {  	_ = 	snop  }
0x3b: {  	_ = 	snop  }
0x3c: {  	p2 =	seq.s32 s10, $0x1;
	s10 =	sld [smem:$0x3FB6]  }
0x3d: {  	_ =	shalt  }
0x3e: {  	_ =	shalt  }
0x3f: {  	_ =	shalt  }
0x40: {  	_ =	shalt  }
0x41: {  	_ =	shalt  }
0x42: {  	_ =	shalt  }
0x43: {  	_ =	shalt  }
0x44: {  	_ =	shalt  }
0x45: {  	_ =	shalt  }
0x46: {  	_ =	shalt  }
0x47: {  	_ =	shalt  }
0x48: {  	_ =	shalt  }
0x49: {  	_ =	shalt  }
0x4a: {  	_ =	shalt  }
0x4b: {  	_ =	shalt  }
0x4c: {  	_ =	shalt  }
0x4d: {  	_ =	shalt  }
0x4e: {  	_ =	shalt  }
0x4f: {  	_ =	shalt  }
0x50: {  	_ =	shalt  }
0x51: {  	_ =	shalt  }
0x52: {  	_ =	shalt  }
0x53: {  	_ =	shalt  }
0x54: {  	_ =	shalt  }
0x55: {  	_ =	shalt  }
0x56: {  	_ =	shalt  }
0x57: {  	_ =	shalt  }
0x58: {  	_ =	shalt  }
0x59: {  	_ =	shalt  }
0x5a: {  	_ =	shalt  }
0x5b: {  	_ =	shalt  }
0x5c: {  	_ =	shalt  }
0x5d: {  	_ =	shalt  }
0x5e: {  	_ =	shalt  }
0x5f: {  	_ =	shalt  }
0x60: {  	_ =	shalt  }
0x61: {  	_ =	shalt  }
0x62: {  	_ =	shalt  }
0x63: {  	_ =	shalt  }
0x64: {  	_ =	shalt  }
0x65: {  	_ =	shalt  }
0x66: {  	_ =	shalt  }
0x67: {  	_ =	shalt  }
0x68: {  	_ =	shalt  }
0x69: {  	_ =	shalt  }
0x6a: {  	_ =	shalt  }
0x6b: {  	_ =	shalt  }
0x6c: {  	_ =	shalt  }
0x6d: {  	_ =	shalt  }
0x6e: {  	_ =	shalt  }
0x6f: {  	_ =	shalt  }
0x70: {  	_ =	shalt  }
0x71: {  	_ =	shalt  }
0x72: {  	_ =	shalt  }
0x73: {  	_ =	shalt  }
0x74: {  	_ =	shalt  }
0x75: {  	_ =	shalt  }
0x76: {  	_ =	shalt  }
0x77: {  	_ =	shalt  }
0x78: {  	_ =	shalt  }
0x79: {  	_ =	shalt  }
0x7a: {  	_ =	shalt  }
0x7b: {  	_ =	shalt  }
0x7c: {  	_ =	shalt  }
0x7d: {  	_ =	shalt  }
0x7e: {  	_ =	shalt  }
0x7f: {  	_ =	shalt  }
0x80: {  	_ =	shalt  }
0x81: {  	_ =	shalt  }
0x82: {  	_ =	shalt  }
0x83: {  	_ =	shalt  }
0x84: {  	_ =	shalt  }
0x85: {  	_ =	shalt  }
0x86: {  	_ =	shalt  }
0x87: {  	_ =	shalt  }
.Lfunc_end0:
.L_simem_size_0:
called_computation_lowered:
.L_overlay_start_0:
0x88: {  	s2 =	sld [smem:$0x3FD9]  }
0x89: {  	s3 =	sld [smem:$0x3FFE];
	_ =	sdelay $0x1  }
0x8a: {  	s1 =	srdreg.scid  }
0x8b: {  	s0 =	sand.u32 $0x1, s1  }
0x8c: {  	s17 =	sshll.u32 s0, $0xA;
	s2 =	sadd.s32 s3, s2  }
0x8d: {  	s2 =	sadd.s32 s2, s17  }
0x8e: {  	[smem:$0x3FC2] =	sst s2  }
0x8f: {  	_ = 	snop  }
0x90: {  	s2 =	sld [smem:$0x3FD0];
	(tm) =	ssettm $0x1  }
0x91: {  	s18 =	sld [smem:$0x3FFB];
	_ =	sdelay $0x3  }
0x92: {  	_ =	strace s18  }
0x93: {  	s3 =	sld [smem:$0x3FFC];
	_ =	sdelay $0x3  }
0x94: {  	_ =	strace s3  }
0x95: {  	s3 =	sld [smem:$0x3FFD];
	_ =	sdelay $0x3  }
0x96: {  	_ =	strace s3  }
0x97: {  	_ =	strace $0x8FFFFFFF  }
0x98: {  	s19 =	sld [smem:$0x3FDB];
	_ =	sdelay $0x1  }
0x99: {  	s4 =	simm.s32 $_scs_section_size  }
0x9a: {  	s5 =	simm.s32 $_size__tile_overlayer_lowered;
	s6 =	simm.s32 $_tile_overlayer_lowered  }
0x9b: {  	s22 =	simm.s32 $0x1BFF;
	s21 =	sshll.u32 s6, $0x1;
	s3 =	sadd.s32 s4, s19  }
0x9c: {  	s7 =	simm.s32 $0x0;
	s20 =	sshll.u32 s5, $0x1;
	s5 =	sadd.s32 s21, s3  }
0x9d: {  	[timem:s7], [sflag:s22] =	dma.local [hbm:s5], s20  }
0x9e: {  	_ =	swait.ge [sflag:s22], s20  }
0x9f: {  	s4 =	ssub.s32 $0x0, s20;
	[sflag:s22] =	ssyncset.done $0x0  }
0xa0: {  	[sflag:s22] =	ssyncadd.s32 s4;
	_ =	sdelay $0x1  }
0xa1: {  	s23 =	simm.s32 $0x1B8B  }
0xa2: {  	_ =	swait.ge [sflag:s23], $0x1  }
0xa3: {  	[sflag:s23] =	ssyncset.done $0x0  }
0xa4: {  	s25 =	simm.s32 $0x1B8E;
	s24 =	sld [smem:$0x3FFE];
	[sflag:s23] =	ssyncadd.s32 $0xFFFFFFFF  }
0xa5: {  	s26 =	simm.s32 $execute0_lowered;
	[smem:$0x3FD2] =	sst s25  }
0xa6: {  	s5 =	sshll.u32 s26, $0x1;
	_ =	strace $0x80000046;
	[dreg:$0x1] =	wrdreg $0xFFFFFFFF  }
0xa7: {  	s28 =	simm.s32 $_size_execute0_lowered;
	s3 =	sadd.s32 s3, s5;
	[dreg:$0x0] =	wrdreg $0x0  }
0xa8: {  	s5 =	sshll.u32 s28, $0x1;
	[dreg:$0x2] =	wrdreg s3  }
0xa9: {  	[dreg:$0x3] =	wrdreg s5  }
0xaa: {  	[dreg:$0x4] =	wrdreg $0xC0  }
0xab: {  	_ =	task [dreg:s7], $0x5FFFF  }
0xac: {  	[dreg:$0x1] =	wrdreg $0xFFFFFFFF  }
0xad: {  	[dreg:$0x0] =	wrdreg $0x60  }
0xae: {  	[dreg:$0x2] =	wrdreg s24  }
0xaf: {  	[dreg:$0x3] =	wrdreg s2  }
0xb0: {  	[dreg:$0x4] =	wrdreg $0x9  }
0xb1: {  	_ =	task.clear_ibuf [dreg:s7], $0x5FFFF;
	_ =	strace $0x90000046  }
0xb2: {  	s29 =	simm.s32 $0x9;
	_ =	strace $0x80000048  }
0xb3: {  	_ =	swait.ge [sflag:s29], $0x1  }
0xb4: {  	[sflag:s29] =	ssyncadd.s32 $0xFFFFFFFF  }
0xb5: {  	_ =	strace $0x90000048  }
0xb6: {  	_ =	sfence  }
0xb7: {  	s30 =	sld [smem:$0x0];
	_ =	sdelay $0x2  }
0xb8: {  	s31 =	sshll.u32 s1, $0xD;
	s1 =	sshrl.u32 s1, $0x2  }
0xb9: {  	s3 =	sand.u32 $0x4000, s31;
	s1 =	sadd.s32 s1, s30  }
0xba: {  	s0 =	sor.u32 s3, s0;
	s1 =	sshll.u32 s1, $0x11  }
0xbb: {  	s0 =	sor.u32 s1, s0  }
0xbc: {  	s0 =	sadd.s32 $0x8F2B, s0  }
0xbd: {  	[sflag:s0] =	ssyncadd.remote.s32 $0x1  }
0xbe: {  	_ =	sfence.sel $0xFFFF  }
0xbf: {  	[dreg:$0x0] =	wrdreg $0xFFFFFFFF;
	(pc) =	sbr.abs _section_cstart, $3  }
0xc0: {  	[dreg:$0x1] =	wrdreg $0xFFFFFFFF  }
0xc1: {  	_ =	task.clear_ibuf [dreg:s7], $0x2FFFF;
	_ =	strace $0x9FFFFFFF  }
0xc2: {  	(tm) =	ssettm $0x7FFFFFFF  }
0xc3: {  	_ =	shalt  }
tec
execute0_lowered:
.L_overlay_start_1:
0x0: {  	(tag) =	ssettag $0x1  }
0x1: {  	s0 =	srdreg.scid  }
0x2: {  	s7 =	sand.u32 $0x1, s0;
	s0 =	stileid.u32  }
0x3: {  	s3 =	sshll.u32 s0, $0x1;
	s4 =	ssub.s32 $0x0, s7  }
0x4: {  	p0 =	sne.s32 s3, s4  }
.Ltmp0:
0x5: {  	_ = 	snop;
	(pc) =	sbr.rel @p0 .LBB2_4-.Ltmp0, $4  }
0x6: {  	_ = 	snop  }
0x7: {  	s6 =	rddreg [dreg:$0x0]  }
0x8: {  	s2 =	rddreg [dreg:$0x1]  }
0x9: {  	s1 =	rddreg [dreg:$0x2];
	_ =	strace $0x80000047  }
0xa: {  	s3 =	sadd.s32 $0xE00, s6;
	s5 =	simm.s32 $0x0  }
0xb: {  	s4 =	simm.s32 $0x2;
	s6 =	sadd.s32 $0x187800, s6;
	s10 =	ssub.s32 $0x2, s7  }
0xc: {  	[tilespmem:s5], [sflag:$0x2] =	stream.linear.gather [hbm4b:s3+s5], $0x80, $0x38;
	[tilespmem:$0xC80] =	vst v63  }
0xd: {  	s7 =	simm.s32 $0x18;
	s11 =	sshrl.u32 s10, $0x1;
	_ =	swait.ge [sflag:s4], $0x80  }
0xe: {  	s8 =	simm.s32 $0x80;
	s10 =	ssub.s32 s10, s11;
	[sflag:s4] =	ssyncset.done $0x0  }
0xf: {  	s9 =	simm.s32 $0x1;
	s10 =	smax.u32 s10, $0x1;
	[sflag:s4] =	ssyncadd.s32 $0xFFFFFF80  }
0x10: {  	[tilespmem:s8], [sflag:$0x1] =	stream.indirect.gather [hbm4b:s6+s7], $0x80, s5, s7, $0xb8;
	[tilespmem:$0xC80] =	vst v63  }
0x11: {  	p0 =	sne.s32 s10, $0x1;
	_ =	swait.ge [sflag:s9], $0xC00  }
.Ltmp1:
0x12: {  	[sflag:s9] =	ssyncset.done $0x0;
	(pc) =	sbr.rel @!p0 .LBB2_3-.Ltmp1, $4  }
0x13: {  	[sflag:s9] =	ssyncadd.s32 $0xFFFFF400  }
0x14: {  	[hbm4b:s2+s5] =	stream.linear.scatter [tilespmem:s8], [sflag:$0x2], $0xC00, $0x38;
	[tilespmem:$0xC80] =	vst v63  }
0x15: {  	_ =	swait.ge [sflag:s4], $0xC00  }
0x16: {  	s10 =	sadd.s32 $0xFFFFFFFF, s10;
	[sflag:s4] =	ssyncset.done $0x0  }
.LBB2_2:
0x17: {  	p0 =	sne.s32 s10, $0x1;
	s10 =	sadd.s32 $0xFFFFFFFF, s10;
	[sflag:s4] =	ssyncadd.s32 $0xFFFFF400  }
0x18: {  	[tilespmem:s5], [sflag:$0x2] =	stream.linear.gather [hbm4b:s3+s5], $0x80, $0x38;
	[tilespmem:$0xC80] =	vst v63  }
0x19: {  	_ =	swait.ge [sflag:s4], $0x80  }
0x1a: {  	[sflag:s4] =	ssyncset.done $0x0  }
0x1b: {  	[sflag:s4] =	ssyncadd.s32 $0xFFFFFF80  }
0x1c: {  	[tilespmem:s8], [sflag:$0x1] =	stream.indirect.gather [hbm4b:s6+s7], $0x80, s5, s7, $0xb8;
	[tilespmem:$0xC80] =	vst v63  }
0x1d: {  	_ =	swait.ge [sflag:s9], $0xC00  }
.Ltmp2:
0x1e: {  	[sflag:s9] =	ssyncset.done $0x0;
	(pc) =	sbr.rel @p0 .LBB2_2-.Ltmp2, $4  }
0x1f: {  	[sflag:s9] =	ssyncadd.s32 $0xFFFFF400  }
0x20: {  	[hbm4b:s2+s5] =	stream.linear.scatter [tilespmem:s8], [sflag:$0x2], $0xC00, $0x38;
	[tilespmem:$0xC80] =	vst v63  }
0x21: {  	_ =	swait.ge [sflag:s4], $0xC00  }
0x22: {  	[sflag:s4] =	ssyncset.done $0x0  }
.LBB2_3:
0x23: {  	[sflag:s4] =	ssyncadd.s32 $0xFFFFF400  }
.LBB2_4:
0x24: {  	_ =	sfence.sel $0x180000  }
0x25: {  	[bflag:$0x0] =	sbarrier.arrive $0xFFFF  }
0x26: {  	p0 =	sne.s32 s0, $0x0;
	_ =	strace $0x90000047  }
0x27: {  	s0 =	sadd.s32 @!p0 $0x100000, s1;
	[bflag:$0x2] =	sbarrier.arrive $0xFFFF  }
0x28: {  	[sflag:s0] =	ssyncadd.tile.s32 @!p0 $0x1;
	_ =	shalt  }
.Lfunc_end2:
_tile_overlayer_lowered:
.L_overlay_start_2:
0x29: {  	(tag) =	ssettag $0x2  }
0x2a: {  	s0 =	rddreg [dreg:$0x0];
	s2 =	stileid.u32  }
0x2b: {  	s1 =	rddreg [dreg:$0x1];
	p0 =	sne.s32 s2, $0x0  }
0x2c: {  	s3 =	rddreg [dreg:$0x2];
	[bflag:$0x3] =	sbarrier.arrive $0xFFFF;
	s2 =	simm.s32 @!p0 $0x1C02  }
0x2d: {  	[timem:s3], [sflag:s2] =	dma.local @!p0 [hbm:s0], s1  }
0x2e: {  	s0 =	simm.s32 @!p0 $0x2  }
0x2f: {  	_ =	swait.ge @!p0 [sflag:s0], s1  }
0x30: {  	s1 =	ssub.s32 @!p0 $0x0, s1;
	[sflag:s0] =	ssyncset.done @!p0 $0x0  }
0x31: {  	[sflag:s0] =	ssyncadd.s32 @!p0 s1  }
0x32: {  	[bflag:$0x3] =	sbarrier.arrive $0xFFFF  }
0x33: {  	_ =	shalt  }

</sc_bundles>
